<compile_context>
chip_gen: v7x
topology: tpu7x:2x2x1
jax: 0.10.2.dev20260603
libtpu: 0.0.44.dev20260713+nightly
codegen_flags: <defaults>
</compile_context>

<pallas_src>
import jax
import jax.numpy as jnp
from jax import lax
from jax.experimental import pallas as pl
from jax.experimental.pallas import tpu as pltpu, tpu_sc as plsc

NC, NS, L = 2, 16, 16
NW = NC * NS
B, G, D, N = 8, 8192, 64, 65536
SAMPLES_PER_W = (B * N) // NW
W_PER_BATCH = N // SAMPLES_PER_W
CHUNK = 128
NROW = CHUNK // 128
NCHUNKS = SAMPLES_PER_W // CHUNK
NVEC = CHUNK // L


def _body(pairs_hbm, grid_hbm, pos_hbm, out_hbm,
          grid_v, pos_v, idx_v, w_v, rows_v, out_t, sem_g, sem_o):
    wid = lax.axis_index("s") * NC + lax.axis_index("c")
    b = wid // W_PER_BATCH
    gbase = wid * SAMPLES_PER_W

    pltpu.sync_copy(grid_hbm.at[pl.ds(pl.multiple_of(b * G, G), G)], grid_v)
    pltpu.sync_copy(
        pos_hbm.at[pl.ds(pl.multiple_of(gbase, SAMPLES_PER_W), SAMPLES_PER_W)],
        pos_v)

    row_base = jnp.full((L,), b * G, jnp.int32)

    def search_chunk(c, buf):
        @plsc.parallel_loop(0, NVEC)
        def _(i):
            pos = pos_v[pl.ds(c * CHUNK + i * L, L)]
            idx = (pos * 0.0).astype(jnp.int32)
            bit = G // 2
            while bit > 0:
                j = idx + bit
                g = plsc.load_gather(grid_v, [j])
                idx = jnp.where(g <= pos, j, idx)
                bit //= 2
            idx = jnp.minimum(idx, G - 2)
            gl = plsc.load_gather(grid_v, [idx])
            gr = plsc.load_gather(grid_v, [idx + 1])
            wr = jnp.clip((pos - gl) / jnp.maximum(gr - gl, 1e-8), 0.0, 1.0)
            r = i // (128 // L)
            col = (i % (128 // L)) * L
            idx_v[buf, r, pl.ds(col, L)] = row_base + idx
            w_v[pl.ds(buf * CHUNK + i * L, L)] = wr

    def gather_descs(buf):
        return [
            pltpu.make_async_copy(
                pairs_hbm.at[idx_v.at[buf, r]],
                rows_v.at[buf, pl.ds(r * 128, 128)], sem_g)
            for r in range(NROW)
        ]

    def lerp_chunk(buf):
        @plsc.parallel_loop(0, CHUNK)
        def _(n):
            wrv = plsc.load_gather(
                w_v, [jnp.full((L,), buf * CHUNK + n, jnp.int32)])
            wlv = 1.0 - wrv
            for dc in range(D // L):
                fl = rows_v[buf, n, pl.ds(dc * L, L)]
                fr = rows_v[buf, n, pl.ds(D + dc * L, L)]
                out_t[buf, n, pl.ds(dc * L, L)] = wlv * fl + wrv * fr

    def out_desc(c, buf):
        off = pl.multiple_of(gbase + c * CHUNK, CHUNK)
        return pltpu.make_async_copy(
            out_t.at[buf], out_hbm.at[pl.ds(off, CHUNK)], sem_o)

    search_chunk(0, 0)
    for cp in gather_descs(0):
        cp.start()

    def chunk_body(c, _):
        buf = lax.rem(c, 2)
        nbuf = lax.rem(c + 1, 2)

        @pl.when(c < NCHUNKS - 1)
        def _():
            search_chunk(c + 1, nbuf)
            for cp in gather_descs(nbuf):
                cp.start()

        for cp in gather_descs(buf):
            cp.wait()
        @pl.when(c > 1)
        def _():
            out_desc(c - 2, buf).wait()
        lerp_chunk(buf)
        out_desc(c, buf).start()
        return 0

    lax.fori_loop(0, NCHUNKS, chunk_body, 0)
    out_desc(NCHUNKS - 2, lax.rem(NCHUNKS - 2, 2)).wait()
    out_desc(NCHUNKS - 1, lax.rem(NCHUNKS - 1, 2)).wait()


@jax.jit
def kernel(field, grid_points, sample_positions):
    shifted = jnp.concatenate([field[:, 1:, :], field[:, -1:, :]], axis=1)
    pairs = jnp.concatenate([field, shifted], axis=2).reshape(B * G, 2 * D)
    grid_flat = grid_points.reshape(B * G)
    pos_flat = sample_positions.reshape(B * N)

    mesh = plsc.VectorSubcoreMesh(
        core_axis_name="c", subcore_axis_name="s",
        num_cores=NC, num_subcores=NS)
    out_t = pl.kernel(
        _body,
        out_type=jax.ShapeDtypeStruct((B * N, D), jnp.float32),
        mesh=mesh,
        scratch_types=[
            pltpu.VMEM((G,), jnp.float32),
            pltpu.VMEM((SAMPLES_PER_W,), jnp.float32),
            pltpu.VMEM((2, NROW, 128), jnp.int32),
            pltpu.VMEM((2 * CHUNK,), jnp.float32),
            pltpu.VMEM((2, CHUNK, 2 * D), jnp.float32),
            pltpu.VMEM((2, CHUNK, D), jnp.float32),
            pltpu.SemaphoreType.DMA,
            pltpu.SemaphoreType.DMA,
        ],
        compiler_params=pltpu.CompilerParams(needs_layout_passes=False),
    )(pairs, grid_flat, pos_flat)
    return out_t.reshape(B, N, D)

# --- scband reference (transcript-rebuilt; emitter-appended) ---
"""Pipeline reference for scband-field-sampler-25331717112457 (READ-ONLY COPY).

The authoritative reference and input builder live on the scoring server;
editing this copy changes nothing except your own understanding.
"""

import jax, jax.numpy as jnp
import numpy as np

B, G, D, N = 8, 8192, 64, 65536

def setup_inputs(seed: int = 0):
    key = jax.random.key(seed)
    k1, k2, k3 = jax.random.split(key, 3)
    grid_points = jnp.sort(jax.random.uniform(k1, (B, G, 1), dtype=jnp.float32) * 100.0, axis=1)
    field = jax.random.normal(k2, (B, G, D), dtype=jnp.float32)
    sample_positions = jax.random.uniform(k3, (B, N, 1), dtype=jnp.float32) * 100.0
    return {"field": field, "grid_points": grid_points, "sample_positions": sample_positions}

def _sample(field, grid_points, sample_positions):
    Bb, Gg, Dd = field.shape
    Nn = sample_positions.shape[1]
    grid_flat = grid_points[..., 0]
    pos_flat = sample_positions[..., 0]
    grid_min = grid_flat[:, 0:1]
    grid_max = grid_flat[:, -1:]
    pos_clamped = jnp.clip(pos_flat, grid_min, grid_max)
    idx_left = jax.vmap(lambda g, p: jnp.searchsorted(g, p, side='right'))(grid_flat, pos_clamped) - 1
    idx_left = jnp.clip(idx_left, 0, Gg - 2)
    idx_right = idx_left + 1
    g_left = jnp.take_along_axis(grid_flat, idx_left, axis=1)
    g_right = jnp.take_along_axis(grid_flat, idx_right, axis=1)
    fl_idx = jnp.broadcast_to(idx_left[:, :, None], (Bb, Nn, Dd))
    fr_idx = jnp.broadcast_to(idx_right[:, :, None], (Bb, Nn, Dd))
    f_left = jnp.take_along_axis(field, fl_idx, axis=1)
    f_right = jnp.take_along_axis(field, fr_idx, axis=1)
    denom = jnp.maximum(g_right - g_left, 1e-8)
    w_right = (pos_clamped - g_left) / denom
    w_left = 1.0 - w_right
    return w_left[..., None] * f_left + w_right[..., None] * f_right

def reference(field, grid_points, sample_positions):
    return _sample(field, grid_points, sample_positions)

if __name__ == "__main__":
    import jax
    _d = setup_inputs()
    print(jax.jit(kernel)(*tuple(_d.values())))

</pallas_src>

<mosaic_0001>
#map = affine_map<(d0, d1) -> (0, 0)>
#map1 = affine_map<(d0, d1) -> (0)>
module attributes {stable_mosaic.version = 14 : i64} {
  func.func @_body(%arg0: i32, %arg1: i32, %arg2: memref<65536x128xf32, #tpu.memory_space<hbm>>, %arg3: memref<65536xf32, #tpu.memory_space<hbm>>, %arg4: memref<524288xf32, #tpu.memory_space<hbm>>, %arg5: memref<524288x64xf32, #tpu.memory_space<hbm>>, %arg6: memref<8192xf32, #tpu.memory_space<vmem>>, %arg7: memref<16384xf32, #tpu.memory_space<vmem>>, %arg8: memref<2x1x128xi32, #tpu.memory_space<vmem>>, %arg9: memref<256xf32, #tpu.memory_space<vmem>>, %arg10: memref<2x128x128xf32, #tpu.memory_space<vmem>>, %arg11: memref<2x128x64xf32, #tpu.memory_space<vmem>>, %arg12: memref<!tpu.dma_semaphore, #tpu.memory_space<semaphore_mem>>, %arg13: memref<!tpu.dma_semaphore, #tpu.memory_space<semaphore_mem>>) attributes {dimension_semantics = [#tpu.dimension_semantics<core_parallel>, #tpu.dimension_semantics<subcore_parallel>], iteration_bounds = array<i64: 2, 16>, scalar_prefetch = 0 : i64, scratch_operands = 8 : i64, tpu.core_type = #tpu.core_type<sc_vector_subcore>, window_params = [{transform_indices = #map}, {transform_indices = #map1}, {transform_indices = #map1}, {transform_indices = #map}]} {
    %mul3A = arith.constant 2 : i32
    %mul3A_0 = arith.muli %arg1, %mul3A : i32
    %add3A = arith.addi %mul3A_0, %arg0 : i32
    %jit3A = arith.constant 4 : i32
    %div3A = arith.divsi %add3A, %jit3A : i32
    %sign3A = arith.constant 0 : i32
    %sign3A_1 = arith.cmpi sgt, %add3A, %sign3A : i32
    %sign3A_2 = arith.extui %sign3A_1 : i1 to i32
    %sign3A_3 = arith.constant 0 : i32
    %sign3A_4 = arith.cmpi slt, %add3A, %sign3A_3 : i32
    %sign3A_5 = arith.extui %sign3A_4 : i1 to i32
    %sign3A_6 = arith.subi %sign3A_2, %sign3A_5 : i32
    %sign3A_7 = arith.constant 0 : i32
    %sign3A_8 = arith.cmpi sgt, %jit3A, %sign3A_7 : i32
    %sign3A_9 = arith.extui %sign3A_8 : i1 to i32
    %sign3A_10 = arith.constant 0 : i32
    %sign3A_11 = arith.cmpi slt, %jit3A, %sign3A_10 : i32
    %sign3A_12 = arith.extui %sign3A_11 : i1 to i32
    %sign3A_13 = arith.subi %sign3A_9, %sign3A_12 : i32
    %ne3A = arith.cmpi ne, %sign3A_6, %sign3A_13 : i32
    %rem3A = arith.remsi %add3A, %jit3A : i32
    %ne3A_14 = arith.constant 0 : i32
    %ne3A_15 = arith.cmpi ne, %rem3A, %ne3A_14 : i32
    %and3A = arith.andi %ne3A, %ne3A_15 : i1
    %sub3A = arith.constant 1 : i32
    %sub3A_16 = arith.subi %div3A, %sub3A : i32
    %select_n3A = arith.select %and3A, %sub3A_16, %div3A : i32
    %mul3A_17 = arith.constant 16384 : i32
    %mul3A_18 = arith.muli %add3A, %mul3A_17 : i32
    %mul3A_19 = arith.constant 8192 : i32
    %mul3A_20 = arith.muli %select_n3A, %mul3A_19 : i32
    %multiple_of3A = tpu.assume_multiple %mul3A_20, 8192 : i32
    "tpu.region"() ({
      %run_scoped3A = tpu.sem_alloc : memref<!tpu.dma_semaphore, #tpu.memory_space<semaphore_mem>>
      %dma_start3A_79 = tpu.memref_slice %arg3[%multiple_of3A] : memref<65536xf32, #tpu.memory_space<hbm>> -> memref<8192xf32, #tpu.memory_space<hbm>>
      %dma_start3A_80 = tpu.memref_slice %arg3[%multiple_of3A] : memref<65536xf32, #tpu.memory_space<hbm>> -> memref<8192xf32, #tpu.memory_space<hbm>>
      tpu.enqueue_dma source(%dma_start3A_80 : memref<8192xf32, #tpu.memory_space<hbm>>) target(%arg6 : memref<8192xf32, #tpu.memory_space<vmem>>) target_semaphore(%run_scoped3A : memref<!tpu.dma_semaphore, #tpu.memory_space<semaphore_mem>>)
      %dma_wait3A_81 = tpu.memref_slice %arg3[%multiple_of3A] : memref<65536xf32, #tpu.memory_space<hbm>> -> memref<8192xf32, #tpu.memory_space<hbm>>
      %dma_wait3A_82 = tpu.memref_slice %arg3[%multiple_of3A] : memref<65536xf32, #tpu.memory_space<hbm>> -> memref<8192xf32, #tpu.memory_space<hbm>>
      tpu.wait_dma2 semaphore(%run_scoped3A : memref<!tpu.dma_semaphore, #tpu.memory_space<semaphore_mem>>) src(%dma_wait3A_82 : memref<8192xf32, #tpu.memory_space<hbm>>) dst(%arg6 : memref<8192xf32, #tpu.memory_space<vmem>>)
      tpu.yield
    }) : () -> ()
    %multiple_of3A_21 = tpu.assume_multiple %mul3A_18, 16384 : i32
    "tpu.region"() ({
      %run_scoped3A = tpu.sem_alloc : memref<!tpu.dma_semaphore, #tpu.memory_space<semaphore_mem>>
      %dma_start3A_79 = tpu.memref_slice %arg4[%multiple_of3A_21] : memref<524288xf32, #tpu.memory_space<hbm>> -> memref<16384xf32, #tpu.memory_space<hbm>>
      %dma_start3A_80 = tpu.memref_slice %arg4[%multiple_of3A_21] : memref<524288xf32, #tpu.memory_space<hbm>> -> memref<16384xf32, #tpu.memory_space<hbm>>
      tpu.enqueue_dma source(%dma_start3A_80 : memref<16384xf32, #tpu.memory_space<hbm>>) target(%arg7 : memref<16384xf32, #tpu.memory_space<vmem>>) target_semaphore(%run_scoped3A : memref<!tpu.dma_semaphore, #tpu.memory_space<semaphore_mem>>)
      %dma_wait3A_81 = tpu.memref_slice %arg4[%multiple_of3A_21] : memref<524288xf32, #tpu.memory_space<hbm>> -> memref<16384xf32, #tpu.memory_space<hbm>>
      %dma_wait3A_82 = tpu.memref_slice %arg4[%multiple_of3A_21] : memref<524288xf32, #tpu.memory_space<hbm>> -> memref<16384xf32, #tpu.memory_space<hbm>>
      tpu.wait_dma2 semaphore(%run_scoped3A : memref<!tpu.dma_semaphore, #tpu.memory_space<semaphore_mem>>) src(%dma_wait3A_82 : memref<16384xf32, #tpu.memory_space<hbm>>) dst(%arg7 : memref<16384xf32, #tpu.memory_space<vmem>>)
      tpu.yield
    }) : () -> ()
    %mul3A_22 = arith.constant 8192 : i32
    %mul3A_23 = arith.muli %select_n3A, %mul3A_22 : i32
    %broadcast_in_dim3A = vector.broadcast %mul3A_23 : i32 to vector<16xi32>
    %parallel_loop3A = arith.constant 0 : i32
    %parallel_loop3A_24 = arith.constant 8 : i32
    %parallel_loop3A_25 = arith.constant 1 : i32
    scf.for %parallel_loop3A_79 = %parallel_loop3A to %parallel_loop3A_24 step %parallel_loop3A_25  : i32 {
      %parallel_loop3A_80 = arith.constant 16 : i32
      %parallel_loop3A_81 = arith.muli %parallel_loop3A_79, %parallel_loop3A_80 : i32
      %parallel_loop3A_82 = arith.constant 0 : i32
      %parallel_loop3A_83 = arith.addi %parallel_loop3A_82, %parallel_loop3A_81 : i32
      %parallel_loop3A_84 = arith.index_cast %parallel_loop3A_83 : i32 to index
      %parallel_loop3A_85 = tpu.vector_load %arg7[%parallel_loop3A_84] {strides = array<i32>} : memref<16384xf32, #tpu.memory_space<vmem>>, vector<16xf32>,
      %parallel_loop3A_86 = arith.constant 0.000000e+00 : f32
      %parallel_loop3A_87 = vector.broadcast %parallel_loop3A_86 : f32 to vector<16xf32>
      %parallel_loop3A_88 = arith.mulf %parallel_loop3A_85, %parallel_loop3A_87 : vector<16xf32>
      %parallel_loop3A_89 = arith.fptosi %parallel_loop3A_88 : vector<16xf32> to vector<16xi32>
      %parallel_loop3A_90 = arith.constant 4096 : i32
      %parallel_loop3A_91 = vector.broadcast %parallel_loop3A_90 : i32 to vector<16xi32>
      %parallel_loop3A_92 = arith.addi %parallel_loop3A_89, %parallel_loop3A_91 : vector<16xi32>
      %parallel_loop3A_93 = tpu.vector_load_idx %arg6[%parallel_loop3A_92] : memref<8192xf32, #tpu.memory_space<vmem>>[vector<16xi32>], vector<16xf32>,
      %parallel_loop3A_94 = arith.cmpf ole, %parallel_loop3A_93, %parallel_loop3A_85 : vector<16xf32>
      %parallel_loop3A_95 = arith.select %parallel_loop3A_94, %parallel_loop3A_92, %parallel_loop3A_89 : vector<16xi1>, vector<16xi32>
      %parallel_loop3A_96 = arith.constant 2048 : i32
      %parallel_loop3A_97 = vector.broadcast %parallel_loop3A_96 : i32 to vector<16xi32>
      %parallel_loop3A_98 = arith.addi %parallel_loop3A_95, %parallel_loop3A_97 : vector<16xi32>
      %parallel_loop3A_99 = tpu.vector_load_idx %arg6[%parallel_loop3A_98] : memref<8192xf32, #tpu.memory_space<vmem>>[vector<16xi32>], vector<16xf32>,
      %parallel_loop3A_100 = arith.cmpf ole, %parallel_loop3A_99, %parallel_loop3A_85 : vector<16xf32>
      %parallel_loop3A_101 = arith.select %parallel_loop3A_100, %parallel_loop3A_98, %parallel_loop3A_95 : vector<16xi1>, vector<16xi32>
      %parallel_loop3A_102 = arith.constant 1024 : i32
      %parallel_loop3A_103 = vector.broadcast %parallel_loop3A_102 : i32 to vector<16xi32>
      %parallel_loop3A_104 = arith.addi %parallel_loop3A_101, %parallel_loop3A_103 : vector<16xi32>
      %parallel_loop3A_105 = tpu.vector_load_idx %arg6[%parallel_loop3A_104] : memref<8192xf32, #tpu.memory_space<vmem>>[vector<16xi32>], vector<16xf32>,
      %parallel_loop3A_106 = arith.cmpf ole, %parallel_loop3A_105, %parallel_loop3A_85 : vector<16xf32>
      %parallel_loop3A_107 = arith.select %parallel_loop3A_106, %parallel_loop3A_104, %parallel_loop3A_101 : vector<16xi1>, vector<16xi32>
      %parallel_loop3A_108 = arith.constant 512 : i32
      %parallel_loop3A_109 = vector.broadcast %parallel_loop3A_108 : i32 to vector<16xi32>
      %parallel_loop3A_110 = arith.addi %parallel_loop3A_107, %parallel_loop3A_109 : vector<16xi32>
      %parallel_loop3A_111 = tpu.vector_load_idx %arg6[%parallel_loop3A_110] : memref<8192xf32, #tpu.memory_space<vmem>>[vector<16xi32>], vector<16xf32>,
      %parallel_loop3A_112 = arith.cmpf ole, %parallel_loop3A_111, %parallel_loop3A_85 : vector<16xf32>
      %parallel_loop3A_113 = arith.select %parallel_loop3A_112, %parallel_loop3A_110, %parallel_loop3A_107 : vector<16xi1>, vector<16xi32>
      %parallel_loop3A_114 = arith.constant 256 : i32
      %parallel_loop3A_115 = vector.broadcast %parallel_loop3A_114 : i32 to vector<16xi32>
      %parallel_loop3A_116 = arith.addi %parallel_loop3A_113, %parallel_loop3A_115 : vector<16xi32>
      %parallel_loop3A_117 = tpu.vector_load_idx %arg6[%parallel_loop3A_116] : memref<8192xf32, #tpu.memory_space<vmem>>[vector<16xi32>], vector<16xf32>,
      %parallel_loop3A_118 = arith.cmpf ole, %parallel_loop3A_117, %parallel_loop3A_85 : vector<16xf32>
      %parallel_loop3A_119 = arith.select %parallel_loop3A_118, %parallel_loop3A_116, %parallel_loop3A_113 : vector<16xi1>, vector<16xi32>
      %parallel_loop3A_120 = arith.constant 128 : i32
      %parallel_loop3A_121 = vector.broadcast %parallel_loop3A_120 : i32 to vector<16xi32>
      %parallel_loop3A_122 = arith.addi %parallel_loop3A_119, %parallel_loop3A_121 : vector<16xi32>
      %parallel_loop3A_123 = tpu.vector_load_idx %arg6[%parallel_loop3A_122] : memref<8192xf32, #tpu.memory_space<vmem>>[vector<16xi32>], vector<16xf32>,
      %parallel_loop3A_124 = arith.cmpf ole, %parallel_loop3A_123, %parallel_loop3A_85 : vector<16xf32>
      %parallel_loop3A_125 = arith.select %parallel_loop3A_124, %parallel_loop3A_122, %parallel_loop3A_119 : vector<16xi1>, vector<16xi32>
      %parallel_loop3A_126 = arith.constant 64 : i32
      %parallel_loop3A_127 = vector.broadcast %parallel_loop3A_126 : i32 to vector<16xi32>
      %parallel_loop3A_128 = arith.addi %parallel_loop3A_125, %parallel_loop3A_127 : vector<16xi32>
      %parallel_loop3A_129 = tpu.vector_load_idx %arg6[%parallel_loop3A_128] : memref<8192xf32, #tpu.memory_space<vmem>>[vector<16xi32>], vector<16xf32>,
      %parallel_loop3A_130 = arith.cmpf ole, %parallel_loop3A_129, %parallel_loop3A_85 : vector<16xf32>
      %parallel_loop3A_131 = arith.select %parallel_loop3A_130, %parallel_loop3A_128, %parallel_loop3A_125 : vector<16xi1>, vector<16xi32>
      %parallel_loop3A_132 = arith.constant 32 : i32
      %parallel_loop3A_133 = vector.broadcast %parallel_loop3A_132 : i32 to vector<16xi32>
      %parallel_loop3A_134 = arith.addi %parallel_loop3A_131, %parallel_loop3A_133 : vector<16xi32>
      %parallel_loop3A_135 = tpu.vector_load_idx %arg6[%parallel_loop3A_134] : memref<8192xf32, #tpu.memory_space<vmem>>[vector<16xi32>], vector<16xf32>,
      %parallel_loop3A_136 = arith.cmpf ole, %parallel_loop3A_135, %parallel_loop3A_85 : vector<16xf32>
      %parallel_loop3A_137 = arith.select %parallel_loop3A_136, %parallel_loop3A_134, %parallel_loop3A_131 : vector<16xi1>, vector<16xi32>
      %parallel_loop3A_138 = arith.constant 16 : i32
      %parallel_loop3A_139 = vector.broadcast %parallel_loop3A_138 : i32 to vector<16xi32>
      %parallel_loop3A_140 = arith.addi %parallel_loop3A_137, %parallel_loop3A_139 : vector<16xi32>
      %parallel_loop3A_141 = tpu.vector_load_idx %arg6[%parallel_loop3A_140] : memref<8192xf32, #tpu.memory_space<vmem>>[vector<16xi32>], vector<16xf32>,
      %parallel_loop3A_142 = arith.cmpf ole, %parallel_loop3A_141, %parallel_loop3A_85 : vector<16xf32>
      %parallel_loop3A_143 = arith.select %parallel_loop3A_142, %parallel_loop3A_140, %parallel_loop3A_137 : vector<16xi1>, vector<16xi32>
      %parallel_loop3A_144 = arith.constant 8 : i32
      %parallel_loop3A_145 = vector.broadcast %parallel_loop3A_144 : i32 to vector<16xi32>
      %parallel_loop3A_146 = arith.addi %parallel_loop3A_143, %parallel_loop3A_145 : vector<16xi32>
      %parallel_loop3A_147 = tpu.vector_load_idx %arg6[%parallel_loop3A_146] : memref<8192xf32, #tpu.memory_space<vmem>>[vector<16xi32>], vector<16xf32>,
      %parallel_loop3A_148 = arith.cmpf ole, %parallel_loop3A_147, %parallel_loop3A_85 : vector<16xf32>
      %parallel_loop3A_149 = arith.select %parallel_loop3A_148, %parallel_loop3A_146, %parallel_loop3A_143 : vector<16xi1>, vector<16xi32>
      %parallel_loop3A_150 = arith.constant 4 : i32
      %parallel_loop3A_151 = vector.broadcast %parallel_loop3A_150 : i32 to vector<16xi32>
      %parallel_loop3A_152 = arith.addi %parallel_loop3A_149, %parallel_loop3A_151 : vector<16xi32>
      %parallel_loop3A_153 = tpu.vector_load_idx %arg6[%parallel_loop3A_152] : memref<8192xf32, #tpu.memory_space<vmem>>[vector<16xi32>], vector<16xf32>,
      %parallel_loop3A_154 = arith.cmpf ole, %parallel_loop3A_153, %parallel_loop3A_85 : vector<16xf32>
      %parallel_loop3A_155 = arith.select %parallel_loop3A_154, %parallel_loop3A_152, %parallel_loop3A_149 : vector<16xi1>, vector<16xi32>
      %parallel_loop3A_156 = arith.constant 2 : i32
      %parallel_loop3A_157 = vector.broadcast %parallel_loop3A_156 : i32 to vector<16xi32>
      %parallel_loop3A_158 = arith.addi %parallel_loop3A_155, %parallel_loop3A_157 : vector<16xi32>
      %parallel_loop3A_159 = tpu.vector_load_idx %arg6[%parallel_loop3A_158] : memref<8192xf32, #tpu.memory_space<vmem>>[vector<16xi32>], vector<16xf32>,
      %parallel_loop3A_160 = arith.cmpf ole, %parallel_loop3A_159, %parallel_loop3A_85 : vector<16xf32>
      %parallel_loop3A_161 = arith.select %parallel_loop3A_160, %parallel_loop3A_158, %parallel_loop3A_155 : vector<16xi1>, vector<16xi32>
      %parallel_loop3A_162 = arith.constant 1 : i32
      %parallel_loop3A_163 = vector.broadcast %parallel_loop3A_162 : i32 to vector<16xi32>
      %parallel_loop3A_164 = arith.addi %parallel_loop3A_161, %parallel_loop3A_163 : vector<16xi32>
      %parallel_loop3A_165 = tpu.vector_load_idx %arg6[%parallel_loop3A_164] : memref<8192xf32, #tpu.memory_space<vmem>>[vector<16xi32>], vector<16xf32>,
      %parallel_loop3A_166 = arith.cmpf ole, %parallel_loop3A_165, %parallel_loop3A_85 : vector<16xf32>
      %parallel_loop3A_167 = arith.select %parallel_loop3A_166, %parallel_loop3A_164, %parallel_loop3A_161 : vector<16xi1>, vector<16xi32>
      %parallel_loop3A_168 = arith.constant 8190 : i32
      %parallel_loop3A_169 = vector.broadcast %parallel_loop3A_168 : i32 to vector<16xi32>
      %parallel_loop3A_170 = arith.minsi %parallel_loop3A_167, %parallel_loop3A_169 : vector<16xi32>
      %parallel_loop3A_171 = tpu.vector_load_idx %arg6[%parallel_loop3A_170] : memref<8192xf32, #tpu.memory_space<vmem>>[vector<16xi32>], vector<16xf32>,
      %parallel_loop3A_172 = arith.constant 1 : i32
      %parallel_loop3A_173 = vector.broadcast %parallel_loop3A_172 : i32 to vector<16xi32>
      %parallel_loop3A_174 = arith.addi %parallel_loop3A_170, %parallel_loop3A_173 : vector<16xi32>
      %parallel_loop3A_175 = tpu.vector_load_idx %arg6[%parallel_loop3A_174] : memref<8192xf32, #tpu.memory_space<vmem>>[vector<16xi32>], vector<16xf32>,
      %parallel_loop3A_176 = arith.subf %parallel_loop3A_85, %parallel_loop3A_171 : vector<16xf32>
      %parallel_loop3A_177 = arith.subf %parallel_loop3A_175, %parallel_loop3A_171 : vector<16xf32>
      %parallel_loop3A_178 = arith.constant 9.99999993E-9 : f32
      %parallel_loop3A_179 = vector.broadcast %parallel_loop3A_178 : f32 to vector<16xf32>
      %parallel_loop3A_180 = arith.maximumf %parallel_loop3A_177, %parallel_loop3A_179 : vector<16xf32>
      %parallel_loop3A_181 = arith.divf %parallel_loop3A_176, %parallel_loop3A_180 : vector<16xf32>
      %parallel_loop3A_182 = arith.constant 0.000000e+00 : f32
      %parallel_loop3A_183 = arith.constant 1.000000e+00 : f32
      %parallel_loop3A_184 = vector.broadcast %parallel_loop3A_182 : f32 to vector<16xf32>
      %parallel_loop3A_185 = arith.maximumf %parallel_loop3A_184, %parallel_loop3A_181 : vector<16xf32>
      %parallel_loop3A_186 = vector.broadcast %parallel_loop3A_183 : f32 to vector<16xf32>
      %parallel_loop3A_187 = arith.minimumf %parallel_loop3A_186, %parallel_loop3A_185 : vector<16xf32>
      %parallel_loop3A_188 = arith.constant 8 : i32
      %parallel_loop3A_189 = arith.divsi %parallel_loop3A_79, %parallel_loop3A_188 : i32
      %parallel_loop3A_190 = arith.constant 0 : i32
      %parallel_loop3A_191 = arith.cmpi sgt, %parallel_loop3A_79, %parallel_loop3A_190 : i32
      %parallel_loop3A_192 = arith.extui %parallel_loop3A_191 : i1 to i32
      %parallel_loop3A_193 = arith.constant 0 : i32
      %parallel_loop3A_194 = arith.cmpi slt, %parallel_loop3A_79, %parallel_loop3A_193 : i32
      %parallel_loop3A_195 = arith.extui %parallel_loop3A_194 : i1 to i32
      %parallel_loop3A_196 = arith.subi %parallel_loop3A_192, %parallel_loop3A_195 : i32
      %parallel_loop3A_197 = arith.constant 0 : i32
      %parallel_loop3A_198 = arith.cmpi sgt, %parallel_loop3A_188, %parallel_loop3A_197 : i32
      %parallel_loop3A_199 = arith.extui %parallel_loop3A_198 : i1 to i32
      %parallel_loop3A_200 = arith.constant 0 : i32
      %parallel_loop3A_201 = arith.cmpi slt, %parallel_loop3A_188, %parallel_loop3A_200 : i32
      %parallel_loop3A_202 = arith.extui %parallel_loop3A_201 : i1 to i32
      %parallel_loop3A_203 = arith.subi %parallel_loop3A_199, %parallel_loop3A_202 : i32
      %parallel_loop3A_204 = arith.cmpi ne, %parallel_loop3A_196, %parallel_loop3A_203 : i32
      %parallel_loop3A_205 = arith.remsi %parallel_loop3A_79, %parallel_loop3A_188 : i32
      %parallel_loop3A_206 = arith.constant 0 : i32
      %parallel_loop3A_207 = arith.cmpi ne, %parallel_loop3A_205, %parallel_loop3A_206 : i32
      %parallel_loop3A_208 = arith.andi %parallel_loop3A_204, %parallel_loop3A_207 : i1
      %parallel_loop3A_209 = arith.constant 1 : i32
      %parallel_loop3A_210 = arith.subi %parallel_loop3A_189, %parallel_loop3A_209 : i32
      %parallel_loop3A_211 = arith.select %parallel_loop3A_208, %parallel_loop3A_210, %parallel_loop3A_189 : i32
      %parallel_loop3A_212 = arith.constant 8 : i32
      %parallel_loop3A_213 = arith.constant 0 : i32
      %parallel_loop3A_214 = arith.cmpi eq, %parallel_loop3A_212, %parallel_loop3A_213 : i32
      %parallel_loop3A_215 = arith.constant 1 : i32
      %parallel_loop3A_216 = arith.select %parallel_loop3A_214, %parallel_loop3A_215, %parallel_loop3A_212 : i32
      %parallel_loop3A_217 = arith.remsi %parallel_loop3A_79, %parallel_loop3A_216 : i32
      %parallel_loop3A_218 = arith.constant 0 : i32
      %parallel_loop3A_219 = arith.cmpi ne, %parallel_loop3A_217, %parallel_loop3A_218 : i32
      %parallel_loop3A_220 = arith.constant 0 : i32
      %parallel_loop3A_221 = arith.cmpi slt, %parallel_loop3A_217, %parallel_loop3A_220 : i32
      %parallel_loop3A_222 = arith.constant 0 : i32
      %parallel_loop3A_223 = arith.cmpi slt, %parallel_loop3A_216, %parallel_loop3A_222 : i32
      %parallel_loop3A_224 = arith.xori %parallel_loop3A_221, %parallel_loop3A_223 : i1
      %parallel_loop3A_225 = arith.andi %parallel_loop3A_224, %parallel_loop3A_219 : i1
      %parallel_loop3A_226 = arith.addi %parallel_loop3A_217, %parallel_loop3A_216 : i32
      %parallel_loop3A_227 = arith.select %parallel_loop3A_225, %parallel_loop3A_226, %parallel_loop3A_217 : i32
      %parallel_loop3A_228 = arith.constant 16 : i32
      %parallel_loop3A_229 = arith.muli %parallel_loop3A_227, %parallel_loop3A_228 : i32
      %parallel_loop3A_230 = arith.addi %broadcast_in_dim3A, %parallel_loop3A_170 : vector<16xi32>
      %parallel_loop3A_231 = arith.constant 0 : i32
      %parallel_loop3A_232 = arith.index_cast %parallel_loop3A_231 : i32 to index
      %parallel_loop3A_233 = arith.index_cast %parallel_loop3A_211 : i32 to index
      %parallel_loop3A_234 = arith.index_cast %parallel_loop3A_229 : i32 to index
      %parallel_loop3A_235 = tpu.vector_load %arg8[%parallel_loop3A_232, %parallel_loop3A_233, %parallel_loop3A_234] {strides = array<i32>} : memref<2x1x128xi32, #tpu.memory_space<vmem>>, vector<16xi32>,
      tpu.vector_store %arg8[%parallel_loop3A_232, %parallel_loop3A_233, %parallel_loop3A_234], %parallel_loop3A_230 {strides = array<i32>} : memref<2x1x128xi32, #tpu.memory_space<vmem>>, vector<16xi32>,
      %parallel_loop3A_236 = arith.constant 16 : i32
      %parallel_loop3A_237 = arith.muli %parallel_loop3A_79, %parallel_loop3A_236 : i32
      %parallel_loop3A_238 = arith.constant 0 : i32
      %parallel_loop3A_239 = arith.addi %parallel_loop3A_238, %parallel_loop3A_237 : i32
      %parallel_loop3A_240 = arith.index_cast %parallel_loop3A_239 : i32 to index
      %parallel_loop3A_241 = tpu.vector_load %arg9[%parallel_loop3A_240] {strides = array<i32>} : memref<256xf32, #tpu.memory_space<vmem>>, vector<16xf32>,
      tpu.vector_store %arg9[%parallel_loop3A_240], %parallel_loop3A_187 {strides = array<i32>} : memref<256xf32, #tpu.memory_space<vmem>>, vector<16xf32>,
    } {sc.loop_unroll_factor = 1 : i64, sc.parallel_access}
    %dma_start3A = arith.constant 0 : i32
    %dma_start3A_26 = arith.constant 0 : i32
    %dma_start3A_27 = arith.constant 0 : i32
    %dma_start3A_28 = arith.constant 0 : i32
    %dma_start3A_29 = arith.constant 0 : i32
    %dma_start3A_30 = tpu.memref_slice %arg10[%dma_start3A_27, %dma_start3A_28, %dma_start3A_29] : memref<2x128x128xf32, #tpu.memory_space<vmem>> -> memref<1x128x128xf32, #tpu.memory_space<vmem>>
    %dma_start3A_31 = tpu.memref_squeeze %dma_start3A_30 : memref<1x128x128xf32, #tpu.memory_space<vmem>> -> memref<128x128xf32, #tpu.memory_space<vmem>>
    %dma_start3A_32 = arith.constant 0 : i32
    %dma_start3A_33 = tpu.memref_slice %arg8[%dma_start3A, %dma_start3A_26, %dma_start3A_32] : memref<2x1x128xi32, #tpu.memory_space<vmem>> -> memref<1x1x128xi32, #tpu.memory_space<vmem>>
    %dma_start3A_34 = tpu.memref_squeeze %dma_start3A_33 : memref<1x1x128xi32, #tpu.memory_space<vmem>> -> memref<128xi32, #tpu.memory_space<vmem>>
    %dma_start3A_35 = arith.constant 0 : i32
    %dma_start3A_36 = arith.constant 0 : i32
    %dma_start3A_37 = tpu.memref_slice %arg2[%dma_start3A_35, %dma_start3A_36] : memref<65536x128xf32, #tpu.memory_space<hbm>> -> memref<65536x128xf32, #tpu.memory_space<hbm>>
    tpu.enqueue_indirect_dma source(%dma_start3A_37 : memref<65536x128xf32, #tpu.memory_space<hbm>>) target(%dma_start3A_31 : memref<128x128xf32, #tpu.memory_space<vmem>>) offsets(%dma_start3A_34 : memref<128xi32, #tpu.memory_space<vmem>>) semaphore(%arg12 : memref<!tpu.dma_semaphore, #tpu.memory_space<semaphore_mem>>)
    %scan3A = arith.constant 0 : i32
    %scan3A_38 = arith.constant 0 : i32
    %scan3A_39 = arith.constant 128 : i32
    %scan3A_40 = arith.addi %scan3A_38, %scan3A_39 : i32
    %scan3A_41 = arith.constant 1 : i32
    %scan3A_42 = scf.for %scan3A_79 = %scan3A_38 to %scan3A_40 step %scan3A_41 iter_args(%scan3A_80 = %scan3A) -> (i32)  : i32 {
      %rem3A_81 = arith.constant 2 : i32
      %rem3A_82 = arith.remsi %scan3A_79, %rem3A_81 : i32
      %add3A_83 = arith.constant 1 : i32
      %add3A_84 = arith.addi %scan3A_79, %add3A_83 : i32
      %rem3A_85 = arith.constant 2 : i32
      %rem3A_86 = arith.remsi %add3A_84, %rem3A_85 : i32
      %lt3A = arith.constant 127 : i32
      %lt3A_87 = arith.cmpi slt, %scan3A_79, %lt3A : i32
      %convert_element_type3A = arith.extui %lt3A_87 : i1 to i32
      %cond3A = arith.constant 0 : i32
      %cond3A_88 = arith.cmpi ne, %convert_element_type3A, %cond3A : i32
      scf.if %cond3A_88 {
        %add3A_124 = arith.constant 1 : i32
        %add3A_125 = arith.addi %scan3A_79, %add3A_124 : i32
        %parallel_loop3A_126 = arith.constant 0 : i32
        %parallel_loop3A_127 = arith.constant 8 : i32
        %parallel_loop3A_128 = arith.constant 1 : i32
        scf.for %parallel_loop3A_140 = %parallel_loop3A_126 to %parallel_loop3A_127 step %parallel_loop3A_128  : i32 {
          %parallel_loop3A_141 = arith.constant 128 : i32
          %parallel_loop3A_142 = arith.muli %add3A_125, %parallel_loop3A_141 : i32
          %parallel_loop3A_143 = arith.constant 16 : i32
          %parallel_loop3A_144 = arith.muli %parallel_loop3A_140, %parallel_loop3A_143 : i32
          %parallel_loop3A_145 = arith.addi %parallel_loop3A_142, %parallel_loop3A_144 : i32
          %parallel_loop3A_146 = arith.index_cast %parallel_loop3A_145 : i32 to index
          %parallel_loop3A_147 = tpu.vector_load %arg7[%parallel_loop3A_146] {strides = array<i32>} : memref<16384xf32, #tpu.memory_space<vmem>>, vector<16xf32>,
          %parallel_loop3A_148 = arith.constant 0.000000e+00 : f32
          %parallel_loop3A_149 = vector.broadcast %parallel_loop3A_148 : f32 to vector<16xf32>
          %parallel_loop3A_150 = arith.mulf %parallel_loop3A_147, %parallel_loop3A_149 : vector<16xf32>
          %parallel_loop3A_151 = arith.fptosi %parallel_loop3A_150 : vector<16xf32> to vector<16xi32>
          %parallel_loop3A_152 = arith.constant 4096 : i32
          %parallel_loop3A_153 = vector.broadcast %parallel_loop3A_152 : i32 to vector<16xi32>
          %parallel_loop3A_154 = arith.addi %parallel_loop3A_151, %parallel_loop3A_153 : vector<16xi32>
          %parallel_loop3A_155 = tpu.vector_load_idx %arg6[%parallel_loop3A_154] : memref<8192xf32, #tpu.memory_space<vmem>>[vector<16xi32>], vector<16xf32>,
          %parallel_loop3A_156 = arith.cmpf ole, %parallel_loop3A_155, %parallel_loop3A_147 : vector<16xf32>
          %parallel_loop3A_157 = arith.select %parallel_loop3A_156, %parallel_loop3A_154, %parallel_loop3A_151 : vector<16xi1>, vector<16xi32>
          %parallel_loop3A_158 = arith.constant 2048 : i32
          %parallel_loop3A_159 = vector.broadcast %parallel_loop3A_158 : i32 to vector<16xi32>
          %parallel_loop3A_160 = arith.addi %parallel_loop3A_157, %parallel_loop3A_159 : vector<16xi32>
          %parallel_loop3A_161 = tpu.vector_load_idx %arg6[%parallel_loop3A_160] : memref<8192xf32, #tpu.memory_space<vmem>>[vector<16xi32>], vector<16xf32>,
          %parallel_loop3A_162 = arith.cmpf ole, %parallel_loop3A_161, %parallel_loop3A_147 : vector<16xf32>
          %parallel_loop3A_163 = arith.select %parallel_loop3A_162, %parallel_loop3A_160, %parallel_loop3A_157 : vector<16xi1>, vector<16xi32>
          %parallel_loop3A_164 = arith.constant 1024 : i32
          %parallel_loop3A_165 = vector.broadcast %parallel_loop3A_164 : i32 to vector<16xi32>
          %parallel_loop3A_166 = arith.addi %parallel_loop3A_163, %parallel_loop3A_165 : vector<16xi32>
          %parallel_loop3A_167 = tpu.vector_load_idx %arg6[%parallel_loop3A_166] : memref<8192xf32, #tpu.memory_space<vmem>>[vector<16xi32>], vector<16xf32>,
          %parallel_loop3A_168 = arith.cmpf ole, %parallel_loop3A_167, %parallel_loop3A_147 : vector<16xf32>
          %parallel_loop3A_169 = arith.select %parallel_loop3A_168, %parallel_loop3A_166, %parallel_loop3A_163 : vector<16xi1>, vector<16xi32>
          %parallel_loop3A_170 = arith.constant 512 : i32
          %parallel_loop3A_171 = vector.broadcast %parallel_loop3A_170 : i32 to vector<16xi32>
          %parallel_loop3A_172 = arith.addi %parallel_loop3A_169, %parallel_loop3A_171 : vector<16xi32>
          %parallel_loop3A_173 = tpu.vector_load_idx %arg6[%parallel_loop3A_172] : memref<8192xf32, #tpu.memory_space<vmem>>[vector<16xi32>], vector<16xf32>,
          %parallel_loop3A_174 = arith.cmpf ole, %parallel_loop3A_173, %parallel_loop3A_147 : vector<16xf32>
          %parallel_loop3A_175 = arith.select %parallel_loop3A_174, %parallel_loop3A_172, %parallel_loop3A_169 : vector<16xi1>, vector<16xi32>
          %parallel_loop3A_176 = arith.constant 256 : i32
          %parallel_loop3A_177 = vector.broadcast %parallel_loop3A_176 : i32 to vector<16xi32>
          %parallel_loop3A_178 = arith.addi %parallel_loop3A_175, %parallel_loop3A_177 : vector<16xi32>
          %parallel_loop3A_179 = tpu.vector_load_idx %arg6[%parallel_loop3A_178] : memref<8192xf32, #tpu.memory_space<vmem>>[vector<16xi32>], vector<16xf32>,
          %parallel_loop3A_180 = arith.cmpf ole, %parallel_loop3A_179, %parallel_loop3A_147 : vector<16xf32>
          %parallel_loop3A_181 = arith.select %parallel_loop3A_180, %parallel_loop3A_178, %parallel_loop3A_175 : vector<16xi1>, vector<16xi32>
          %parallel_loop3A_182 = arith.constant 128 : i32
          %parallel_loop3A_183 = vector.broadcast %parallel_loop3A_182 : i32 to vector<16xi32>
          %parallel_loop3A_184 = arith.addi %parallel_loop3A_181, %parallel_loop3A_183 : vector<16xi32>
          %parallel_loop3A_185 = tpu.vector_load_idx %arg6[%parallel_loop3A_184] : memref<8192xf32, #tpu.memory_space<vmem>>[vector<16xi32>], vector<16xf32>,
          %parallel_loop3A_186 = arith.cmpf ole, %parallel_loop3A_185, %parallel_loop3A_147 : vector<16xf32>
          %parallel_loop3A_187 = arith.select %parallel_loop3A_186, %parallel_loop3A_184, %parallel_loop3A_181 : vector<16xi1>, vector<16xi32>
          %parallel_loop3A_188 = arith.constant 64 : i32
          %parallel_loop3A_189 = vector.broadcast %parallel_loop3A_188 : i32 to vector<16xi32>
          %parallel_loop3A_190 = arith.addi %parallel_loop3A_187, %parallel_loop3A_189 : vector<16xi32>
          %parallel_loop3A_191 = tpu.vector_load_idx %arg6[%parallel_loop3A_190] : memref<8192xf32, #tpu.memory_space<vmem>>[vector<16xi32>], vector<16xf32>,
          %parallel_loop3A_192 = arith.cmpf ole, %parallel_loop3A_191, %parallel_loop3A_147 : vector<16xf32>
          %parallel_loop3A_193 = arith.select %parallel_loop3A_192, %parallel_loop3A_190, %parallel_loop3A_187 : vector<16xi1>, vector<16xi32>
          %parallel_loop3A_194 = arith.constant 32 : i32
          %parallel_loop3A_195 = vector.broadcast %parallel_loop3A_194 : i32 to vector<16xi32>
          %parallel_loop3A_196 = arith.addi %parallel_loop3A_193, %parallel_loop3A_195 : vector<16xi32>
          %parallel_loop3A_197 = tpu.vector_load_idx %arg6[%parallel_loop3A_196] : memref<8192xf32, #tpu.memory_space<vmem>>[vector<16xi32>], vector<16xf32>,
          %parallel_loop3A_198 = arith.cmpf ole, %parallel_loop3A_197, %parallel_loop3A_147 : vector<16xf32>
          %parallel_loop3A_199 = arith.select %parallel_loop3A_198, %parallel_loop3A_196, %parallel_loop3A_193 : vector<16xi1>, vector<16xi32>
          %parallel_loop3A_200 = arith.constant 16 : i32
          %parallel_loop3A_201 = vector.broadcast %parallel_loop3A_200 : i32 to vector<16xi32>
          %parallel_loop3A_202 = arith.addi %parallel_loop3A_199, %parallel_loop3A_201 : vector<16xi32>
          %parallel_loop3A_203 = tpu.vector_load_idx %arg6[%parallel_loop3A_202] : memref<8192xf32, #tpu.memory_space<vmem>>[vector<16xi32>], vector<16xf32>,
          %parallel_loop3A_204 = arith.cmpf ole, %parallel_loop3A_203, %parallel_loop3A_147 : vector<16xf32>
          %parallel_loop3A_205 = arith.select %parallel_loop3A_204, %parallel_loop3A_202, %parallel_loop3A_199 : vector<16xi1>, vector<16xi32>
          %parallel_loop3A_206 = arith.constant 8 : i32
          %parallel_loop3A_207 = vector.broadcast %parallel_loop3A_206 : i32 to vector<16xi32>
          %parallel_loop3A_208 = arith.addi %parallel_loop3A_205, %parallel_loop3A_207 : vector<16xi32>
          %parallel_loop3A_209 = tpu.vector_load_idx %arg6[%parallel_loop3A_208] : memref<8192xf32, #tpu.memory_space<vmem>>[vector<16xi32>], vector<16xf32>,
          %parallel_loop3A_210 = arith.cmpf ole, %parallel_loop3A_209, %parallel_loop3A_147 : vector<16xf32>
          %parallel_loop3A_211 = arith.select %parallel_loop3A_210, %parallel_loop3A_208, %parallel_loop3A_205 : vector<16xi1>, vector<16xi32>
          %parallel_loop3A_212 = arith.constant 4 : i32
          %parallel_loop3A_213 = vector.broadcast %parallel_loop3A_212 : i32 to vector<16xi32>
          %parallel_loop3A_214 = arith.addi %parallel_loop3A_211, %parallel_loop3A_213 : vector<16xi32>
          %parallel_loop3A_215 = tpu.vector_load_idx %arg6[%parallel_loop3A_214] : memref<8192xf32, #tpu.memory_space<vmem>>[vector<16xi32>], vector<16xf32>,
          %parallel_loop3A_216 = arith.cmpf ole, %parallel_loop3A_215, %parallel_loop3A_147 : vector<16xf32>
          %parallel_loop3A_217 = arith.select %parallel_loop3A_216, %parallel_loop3A_214, %parallel_loop3A_211 : vector<16xi1>, vector<16xi32>
          %parallel_loop3A_218 = arith.constant 2 : i32
          %parallel_loop3A_219 = vector.broadcast %parallel_loop3A_218 : i32 to vector<16xi32>
          %parallel_loop3A_220 = arith.addi %parallel_loop3A_217, %parallel_loop3A_219 : vector<16xi32>
          %parallel_loop3A_221 = tpu.vector_load_idx %arg6[%parallel_loop3A_220] : memref<8192xf32, #tpu.memory_space<vmem>>[vector<16xi32>], vector<16xf32>,
          %parallel_loop3A_222 = arith.cmpf ole, %parallel_loop3A_221, %parallel_loop3A_147 : vector<16xf32>
          %parallel_loop3A_223 = arith.select %parallel_loop3A_222, %parallel_loop3A_220, %parallel_loop3A_217 : vector<16xi1>, vector<16xi32>
          %parallel_loop3A_224 = arith.constant 1 : i32
          %parallel_loop3A_225 = vector.broadcast %parallel_loop3A_224 : i32 to vector<16xi32>
          %parallel_loop3A_226 = arith.addi %parallel_loop3A_223, %parallel_loop3A_225 : vector<16xi32>
          %parallel_loop3A_227 = tpu.vector_load_idx %arg6[%parallel_loop3A_226] : memref<8192xf32, #tpu.memory_space<vmem>>[vector<16xi32>], vector<16xf32>,
          %parallel_loop3A_228 = arith.cmpf ole, %parallel_loop3A_227, %parallel_loop3A_147 : vector<16xf32>
          %parallel_loop3A_229 = arith.select %parallel_loop3A_228, %parallel_loop3A_226, %parallel_loop3A_223 : vector<16xi1>, vector<16xi32>
          %parallel_loop3A_230 = arith.constant 8190 : i32
          %parallel_loop3A_231 = vector.broadcast %parallel_loop3A_230 : i32 to vector<16xi32>
          %parallel_loop3A_232 = arith.minsi %parallel_loop3A_229, %parallel_loop3A_231 : vector<16xi32>
          %parallel_loop3A_233 = tpu.vector_load_idx %arg6[%parallel_loop3A_232] : memref<8192xf32, #tpu.memory_space<vmem>>[vector<16xi32>], vector<16xf32>,
          %parallel_loop3A_234 = arith.constant 1 : i32
          %parallel_loop3A_235 = vector.broadcast %parallel_loop3A_234 : i32 to vector<16xi32>
          %parallel_loop3A_236 = arith.addi %parallel_loop3A_232, %parallel_loop3A_235 : vector<16xi32>
          %parallel_loop3A_237 = tpu.vector_load_idx %arg6[%parallel_loop3A_236] : memref<8192xf32, #tpu.memory_space<vmem>>[vector<16xi32>], vector<16xf32>,
          %parallel_loop3A_238 = arith.subf %parallel_loop3A_147, %parallel_loop3A_233 : vector<16xf32>
          %parallel_loop3A_239 = arith.subf %parallel_loop3A_237, %parallel_loop3A_233 : vector<16xf32>
          %parallel_loop3A_240 = arith.constant 9.99999993E-9 : f32
          %parallel_loop3A_241 = vector.broadcast %parallel_loop3A_240 : f32 to vector<16xf32>
          %parallel_loop3A_242 = arith.maximumf %parallel_loop3A_239, %parallel_loop3A_241 : vector<16xf32>
          %parallel_loop3A_243 = arith.divf %parallel_loop3A_238, %parallel_loop3A_242 : vector<16xf32>
          %parallel_loop3A_244 = arith.constant 0.000000e+00 : f32
          %parallel_loop3A_245 = arith.constant 1.000000e+00 : f32
          %parallel_loop3A_246 = vector.broadcast %parallel_loop3A_244 : f32 to vector<16xf32>
          %parallel_loop3A_247 = arith.maximumf %parallel_loop3A_246, %parallel_loop3A_243 : vector<16xf32>
          %parallel_loop3A_248 = vector.broadcast %parallel_loop3A_245 : f32 to vector<16xf32>
          %parallel_loop3A_249 = arith.minimumf %parallel_loop3A_248, %parallel_loop3A_247 : vector<16xf32>
          %parallel_loop3A_250 = arith.constant 8 : i32
          %parallel_loop3A_251 = arith.divsi %parallel_loop3A_140, %parallel_loop3A_250 : i32
          %parallel_loop3A_252 = arith.constant 0 : i32
          %parallel_loop3A_253 = arith.cmpi sgt, %parallel_loop3A_140, %parallel_loop3A_252 : i32
          %parallel_loop3A_254 = arith.extui %parallel_loop3A_253 : i1 to i32
          %parallel_loop3A_255 = arith.constant 0 : i32
          %parallel_loop3A_256 = arith.cmpi slt, %parallel_loop3A_140, %parallel_loop3A_255 : i32
          %parallel_loop3A_257 = arith.extui %parallel_loop3A_256 : i1 to i32
          %parallel_loop3A_258 = arith.subi %parallel_loop3A_254, %parallel_loop3A_257 : i32
          %parallel_loop3A_259 = arith.constant 0 : i32
          %parallel_loop3A_260 = arith.cmpi sgt, %parallel_loop3A_250, %parallel_loop3A_259 : i32
          %parallel_loop3A_261 = arith.extui %parallel_loop3A_260 : i1 to i32
          %parallel_loop3A_262 = arith.constant 0 : i32
          %parallel_loop3A_263 = arith.cmpi slt, %parallel_loop3A_250, %parallel_loop3A_262 : i32
          %parallel_loop3A_264 = arith.extui %parallel_loop3A_263 : i1 to i32
          %parallel_loop3A_265 = arith.subi %parallel_loop3A_261, %parallel_loop3A_264 : i32
          %parallel_loop3A_266 = arith.cmpi ne, %parallel_loop3A_258, %parallel_loop3A_265 : i32
          %parallel_loop3A_267 = arith.remsi %parallel_loop3A_140, %parallel_loop3A_250 : i32
          %parallel_loop3A_268 = arith.constant 0 : i32
          %parallel_loop3A_269 = arith.cmpi ne, %parallel_loop3A_267, %parallel_loop3A_268 : i32
          %parallel_loop3A_270 = arith.andi %parallel_loop3A_266, %parallel_loop3A_269 : i1
          %parallel_loop3A_271 = arith.constant 1 : i32
          %parallel_loop3A_272 = arith.subi %parallel_loop3A_251, %parallel_loop3A_271 : i32
          %parallel_loop3A_273 = arith.select %parallel_loop3A_270, %parallel_loop3A_272, %parallel_loop3A_251 : i32
          %parallel_loop3A_274 = arith.constant 8 : i32
          %parallel_loop3A_275 = arith.constant 0 : i32
          %parallel_loop3A_276 = arith.cmpi eq, %parallel_loop3A_274, %parallel_loop3A_275 : i32
          %parallel_loop3A_277 = arith.constant 1 : i32
          %parallel_loop3A_278 = arith.select %parallel_loop3A_276, %parallel_loop3A_277, %parallel_loop3A_274 : i32
          %parallel_loop3A_279 = arith.remsi %parallel_loop3A_140, %parallel_loop3A_278 : i32
          %parallel_loop3A_280 = arith.constant 0 : i32
          %parallel_loop3A_281 = arith.cmpi ne, %parallel_loop3A_279, %parallel_loop3A_280 : i32
          %parallel_loop3A_282 = arith.constant 0 : i32
          %parallel_loop3A_283 = arith.cmpi slt, %parallel_loop3A_279, %parallel_loop3A_282 : i32
          %parallel_loop3A_284 = arith.constant 0 : i32
          %parallel_loop3A_285 = arith.cmpi slt, %parallel_loop3A_278, %parallel_loop3A_284 : i32
          %parallel_loop3A_286 = arith.xori %parallel_loop3A_283, %parallel_loop3A_285 : i1
          %parallel_loop3A_287 = arith.andi %parallel_loop3A_286, %parallel_loop3A_281 : i1
          %parallel_loop3A_288 = arith.addi %parallel_loop3A_279, %parallel_loop3A_278 : i32
          %parallel_loop3A_289 = arith.select %parallel_loop3A_287, %parallel_loop3A_288, %parallel_loop3A_279 : i32
          %parallel_loop3A_290 = arith.constant 16 : i32
          %parallel_loop3A_291 = arith.muli %parallel_loop3A_289, %parallel_loop3A_290 : i32
          %parallel_loop3A_292 = arith.addi %broadcast_in_dim3A, %parallel_loop3A_232 : vector<16xi32>
          %parallel_loop3A_293 = arith.index_cast %rem3A_86 : i32 to index
          %parallel_loop3A_294 = arith.index_cast %parallel_loop3A_273 : i32 to index
          %parallel_loop3A_295 = arith.index_cast %parallel_loop3A_291 : i32 to index
          %parallel_loop3A_296 = tpu.vector_load %arg8[%parallel_loop3A_293, %parallel_loop3A_294, %parallel_loop3A_295] {strides = array<i32>} : memref<2x1x128xi32, #tpu.memory_space<vmem>>, vector<16xi32>,
          tpu.vector_store %arg8[%parallel_loop3A_293, %parallel_loop3A_294, %parallel_loop3A_295], %parallel_loop3A_292 {strides = array<i32>} : memref<2x1x128xi32, #tpu.memory_space<vmem>>, vector<16xi32>,
          %parallel_loop3A_297 = arith.constant 128 : i32
          %parallel_loop3A_298 = arith.muli %rem3A_86, %parallel_loop3A_297 : i32
          %parallel_loop3A_299 = arith.constant 16 : i32
          %parallel_loop3A_300 = arith.muli %parallel_loop3A_140, %parallel_loop3A_299 : i32
          %parallel_loop3A_301 = arith.addi %parallel_loop3A_298, %parallel_loop3A_300 : i32
          %parallel_loop3A_302 = arith.index_cast %parallel_loop3A_301 : i32 to index
          %parallel_loop3A_303 = tpu.vector_load %arg9[%parallel_loop3A_302] {strides = array<i32>} : memref<256xf32, #tpu.memory_space<vmem>>, vector<16xf32>,
          tpu.vector_store %arg9[%parallel_loop3A_302], %parallel_loop3A_249 {strides = array<i32>} : memref<256xf32, #tpu.memory_space<vmem>>, vector<16xf32>,
        } {sc.loop_unroll_factor = 1 : i64, sc.parallel_access}
        %dma_start3A_129 = arith.constant 0 : i32
        %dma_start3A_130 = arith.constant 0 : i32
        %dma_start3A_131 = arith.constant 0 : i32
        %dma_start3A_132 = tpu.memref_slice %arg10[%rem3A_86, %dma_start3A_130, %dma_start3A_131] : memref<2x128x128xf32, #tpu.memory_space<vmem>> -> memref<1x128x128xf32, #tpu.memory_space<vmem>>
        %dma_start3A_133 = tpu.memref_squeeze %dma_start3A_132 : memref<1x128x128xf32, #tpu.memory_space<vmem>> -> memref<128x128xf32, #tpu.memory_space<vmem>>
        %dma_start3A_134 = arith.constant 0 : i32
        %dma_start3A_135 = tpu.memref_slice %arg8[%rem3A_86, %dma_start3A_129, %dma_start3A_134] : memref<2x1x128xi32, #tpu.memory_space<vmem>> -> memref<1x1x128xi32, #tpu.memory_space<vmem>>
        %dma_start3A_136 = tpu.memref_squeeze %dma_start3A_135 : memref<1x1x128xi32, #tpu.memory_space<vmem>> -> memref<128xi32, #tpu.memory_space<vmem>>
        %dma_start3A_137 = arith.constant 0 : i32
        %dma_start3A_138 = arith.constant 0 : i32
        %dma_start3A_139 = tpu.memref_slice %arg2[%dma_start3A_137, %dma_start3A_138] : memref<65536x128xf32, #tpu.memory_space<hbm>> -> memref<65536x128xf32, #tpu.memory_space<hbm>>
        tpu.enqueue_indirect_dma source(%dma_start3A_139 : memref<65536x128xf32, #tpu.memory_space<hbm>>) target(%dma_start3A_133 : memref<128x128xf32, #tpu.memory_space<vmem>>) offsets(%dma_start3A_136 : memref<128xi32, #tpu.memory_space<vmem>>) semaphore(%arg12 : memref<!tpu.dma_semaphore, #tpu.memory_space<semaphore_mem>>)
      } else {
      }
      %dma_wait3A_89 = arith.constant 0 : i32
      %dma_wait3A_90 = arith.constant 0 : i32
      %dma_wait3A_91 = arith.constant 0 : i32
      %dma_wait3A_92 = tpu.memref_slice %arg10[%rem3A_82, %dma_wait3A_90, %dma_wait3A_91] : memref<2x128x128xf32, #tpu.memory_space<vmem>> -> memref<1x128x128xf32, #tpu.memory_space<vmem>>
      %dma_wait3A_93 = tpu.memref_squeeze %dma_wait3A_92 : memref<1x128x128xf32, #tpu.memory_space<vmem>> -> memref<128x128xf32, #tpu.memory_space<vmem>>
      %dma_wait3A_94 = arith.constant 0 : i32
      %dma_wait3A_95 = tpu.memref_slice %arg8[%rem3A_82, %dma_wait3A_89, %dma_wait3A_94] : memref<2x1x128xi32, #tpu.memory_space<vmem>> -> memref<1x1x128xi32, #tpu.memory_space<vmem>>
      %dma_wait3A_96 = tpu.memref_squeeze %dma_wait3A_95 : memref<1x1x128xi32, #tpu.memory_space<vmem>> -> memref<128xi32, #tpu.memory_space<vmem>>
      %dma_wait3A_97 = arith.constant 0 : i32
      %dma_wait3A_98 = arith.constant 0 : i32
      %dma_wait3A_99 = tpu.memref_slice %arg2[%dma_wait3A_97, %dma_wait3A_98] : memref<65536x128xf32, #tpu.memory_space<hbm>> -> memref<65536x128xf32, #tpu.memory_space<hbm>>
      tpu.wait_indirect_dma semaphore(%arg12 : memref<!tpu.dma_semaphore, #tpu.memory_space<semaphore_mem>>) src(%dma_wait3A_99 : memref<65536x128xf32, #tpu.memory_space<hbm>>) dst(%dma_wait3A_93 : memref<128x128xf32, #tpu.memory_space<vmem>>)
      %gt3A = arith.constant 1 : i32
      %gt3A_100 = arith.cmpi sgt, %scan3A_79, %gt3A : i32
      %convert_element_type3A_101 = arith.extui %gt3A_100 : i1 to i32
      %cond3A_102 = arith.constant 0 : i32
      %cond3A_103 = arith.cmpi ne, %convert_element_type3A_101, %cond3A_102 : i32
      scf.if %cond3A_103 {
        %sub3A_124 = arith.constant 2 : i32
        %sub3A_125 = arith.subi %scan3A_79, %sub3A_124 : i32
        %mul3A_126 = arith.constant 128 : i32
        %mul3A_127 = arith.muli %sub3A_125, %mul3A_126 : i32
        %add3A_128 = arith.addi %mul3A_18, %mul3A_127 : i32
        %multiple_of3A_129 = tpu.assume_multiple %add3A_128, 128 : i32
        %dma_wait3A_130 = arith.constant 0 : i32
        %dma_wait3A_131 = arith.constant 0 : i32
        %dma_wait3A_132 = tpu.memref_slice %arg11[%rem3A_82, %dma_wait3A_130, %dma_wait3A_131] : memref<2x128x64xf32, #tpu.memory_space<vmem>> -> memref<1x128x64xf32, #tpu.memory_space<vmem>>
        %dma_wait3A_133 = tpu.memref_squeeze %dma_wait3A_132 : memref<1x128x64xf32, #tpu.memory_space<vmem>> -> memref<128x64xf32, #tpu.memory_space<vmem>>
        %dma_wait3A_134 = arith.constant 0 : i32
        %dma_wait3A_135 = tpu.memref_slice %arg5[%multiple_of3A_129, %dma_wait3A_134] : memref<524288x64xf32, #tpu.memory_space<hbm>> -> memref<128x64xf32, #tpu.memory_space<hbm>>
        %dma_wait3A_136 = arith.constant 0 : i32
        %dma_wait3A_137 = tpu.memref_slice %arg5[%multiple_of3A_129, %dma_wait3A_136] : memref<524288x64xf32, #tpu.memory_space<hbm>> -> memref<128x64xf32, #tpu.memory_space<hbm>>
        %dma_wait3A_138 = arith.constant 0 : i32
        %dma_wait3A_139 = arith.constant 0 : i32
        %dma_wait3A_140 = tpu.memref_slice %arg11[%rem3A_82, %dma_wait3A_138, %dma_wait3A_139] : memref<2x128x64xf32, #tpu.memory_space<vmem>> -> memref<1x128x64xf32, #tpu.memory_space<vmem>>
        %dma_wait3A_141 = tpu.memref_squeeze %dma_wait3A_140 : memref<1x128x64xf32, #tpu.memory_space<vmem>> -> memref<128x64xf32, #tpu.memory_space<vmem>>
        tpu.wait_dma2 semaphore(%arg13 : memref<!tpu.dma_semaphore, #tpu.memory_space<semaphore_mem>>) src(%dma_wait3A_141 : memref<128x64xf32, #tpu.memory_space<vmem>>) dst(%dma_wait3A_137 : memref<128x64xf32, #tpu.memory_space<hbm>>)
      } else {
      }
      %parallel_loop3A_104 = arith.constant 0 : i32
      %parallel_loop3A_105 = arith.constant 128 : i32
      %parallel_loop3A_106 = arith.constant 1 : i32
      scf.for %parallel_loop3A_124 = %parallel_loop3A_104 to %parallel_loop3A_105 step %parallel_loop3A_106  : i32 {
        %parallel_loop3A_125 = arith.constant 128 : i32
        %parallel_loop3A_126 = arith.muli %rem3A_82, %parallel_loop3A_125 : i32
        %parallel_loop3A_127 = arith.addi %parallel_loop3A_126, %parallel_loop3A_124 : i32
        %parallel_loop3A_128 = vector.broadcast %parallel_loop3A_127 : i32 to vector<16xi32>
        %parallel_loop3A_129 = tpu.vector_load_idx %arg9[%parallel_loop3A_128] : memref<256xf32, #tpu.memory_space<vmem>>[vector<16xi32>], vector<16xf32>,
        %parallel_loop3A_130 = arith.constant 1.000000e+00 : f32
        %parallel_loop3A_131 = vector.broadcast %parallel_loop3A_130 : f32 to vector<16xf32>
        %parallel_loop3A_132 = arith.subf %parallel_loop3A_131, %parallel_loop3A_129 : vector<16xf32>
        %parallel_loop3A_133 = arith.index_cast %rem3A_82 : i32 to index
        %parallel_loop3A_134 = arith.index_cast %parallel_loop3A_124 : i32 to index
        %parallel_loop3A_135 = arith.constant 0 : index
        %parallel_loop3A_136 = tpu.vector_load %arg10[%parallel_loop3A_133, %parallel_loop3A_134, %parallel_loop3A_135] {strides = array<i32>} : memref<2x128x128xf32, #tpu.memory_space<vmem>>, vector<16xf32>,
        %parallel_loop3A_137 = arith.index_cast %rem3A_82 : i32 to index
        %parallel_loop3A_138 = arith.index_cast %parallel_loop3A_124 : i32 to index
        %parallel_loop3A_139 = arith.constant 64 : index
        %parallel_loop3A_140 = tpu.vector_load %arg10[%parallel_loop3A_137, %parallel_loop3A_138, %parallel_loop3A_139] {strides = array<i32>} : memref<2x128x128xf32, #tpu.memory_space<vmem>>, vector<16xf32>,
        %parallel_loop3A_141 = arith.mulf %parallel_loop3A_132, %parallel_loop3A_136 : vector<16xf32>
        %parallel_loop3A_142 = arith.mulf %parallel_loop3A_129, %parallel_loop3A_140 : vector<16xf32>
        %parallel_loop3A_143 = arith.addf %parallel_loop3A_141, %parallel_loop3A_142 : vector<16xf32>
        %parallel_loop3A_144 = arith.index_cast %rem3A_82 : i32 to index
        %parallel_loop3A_145 = arith.index_cast %parallel_loop3A_124 : i32 to index
        %parallel_loop3A_146 = arith.constant 0 : index
        %parallel_loop3A_147 = tpu.vector_load %arg11[%parallel_loop3A_144, %parallel_loop3A_145, %parallel_loop3A_146] {strides = array<i32>} : memref<2x128x64xf32, #tpu.memory_space<vmem>>, vector<16xf32>,
        tpu.vector_store %arg11[%parallel_loop3A_144, %parallel_loop3A_145, %parallel_loop3A_146], %parallel_loop3A_143 {strides = array<i32>} : memref<2x128x64xf32, #tpu.memory_space<vmem>>, vector<16xf32>,
        %parallel_loop3A_148 = arith.index_cast %rem3A_82 : i32 to index
        %parallel_loop3A_149 = arith.index_cast %parallel_loop3A_124 : i32 to index
        %parallel_loop3A_150 = arith.constant 16 : index
        %parallel_loop3A_151 = tpu.vector_load %arg10[%parallel_loop3A_148, %parallel_loop3A_149, %parallel_loop3A_150] {strides = array<i32>} : memref<2x128x128xf32, #tpu.memory_space<vmem>>, vector<16xf32>,
        %parallel_loop3A_152 = arith.index_cast %rem3A_82 : i32 to index
        %parallel_loop3A_153 = arith.index_cast %parallel_loop3A_124 : i32 to index
        %parallel_loop3A_154 = arith.constant 80 : index
        %parallel_loop3A_155 = tpu.vector_load %arg10[%parallel_loop3A_152, %parallel_loop3A_153, %parallel_loop3A_154] {strides = array<i32>} : memref<2x128x128xf32, #tpu.memory_space<vmem>>, vector<16xf32>,
        %parallel_loop3A_156 = arith.mulf %parallel_loop3A_132, %parallel_loop3A_151 : vector<16xf32>
        %parallel_loop3A_157 = arith.mulf %parallel_loop3A_129, %parallel_loop3A_155 : vector<16xf32>
        %parallel_loop3A_158 = arith.addf %parallel_loop3A_156, %parallel_loop3A_157 : vector<16xf32>
        %parallel_loop3A_159 = arith.index_cast %rem3A_82 : i32 to index
        %parallel_loop3A_160 = arith.index_cast %parallel_loop3A_124 : i32 to index
        %parallel_loop3A_161 = arith.constant 16 : index
        %parallel_loop3A_162 = tpu.vector_load %arg11[%parallel_loop3A_159, %parallel_loop3A_160, %parallel_loop3A_161] {strides = array<i32>} : memref<2x128x64xf32, #tpu.memory_space<vmem>>, vector<16xf32>,
        tpu.vector_store %arg11[%parallel_loop3A_159, %parallel_loop3A_160, %parallel_loop3A_161], %parallel_loop3A_158 {strides = array<i32>} : memref<2x128x64xf32, #tpu.memory_space<vmem>>, vector<16xf32>,
        %parallel_loop3A_163 = arith.index_cast %rem3A_82 : i32 to index
        %parallel_loop3A_164 = arith.index_cast %parallel_loop3A_124 : i32 to index
        %parallel_loop3A_165 = arith.constant 32 : index
        %parallel_loop3A_166 = tpu.vector_load %arg10[%parallel_loop3A_163, %parallel_loop3A_164, %parallel_loop3A_165] {strides = array<i32>} : memref<2x128x128xf32, #tpu.memory_space<vmem>>, vector<16xf32>,
        %parallel_loop3A_167 = arith.index_cast %rem3A_82 : i32 to index
        %parallel_loop3A_168 = arith.index_cast %parallel_loop3A_124 : i32 to index
        %parallel_loop3A_169 = arith.constant 96 : index
        %parallel_loop3A_170 = tpu.vector_load %arg10[%parallel_loop3A_167, %parallel_loop3A_168, %parallel_loop3A_169] {strides = array<i32>} : memref<2x128x128xf32, #tpu.memory_space<vmem>>, vector<16xf32>,
        %parallel_loop3A_171 = arith.mulf %parallel_loop3A_132, %parallel_loop3A_166 : vector<16xf32>
        %parallel_loop3A_172 = arith.mulf %parallel_loop3A_129, %parallel_loop3A_170 : vector<16xf32>
        %parallel_loop3A_173 = arith.addf %parallel_loop3A_171, %parallel_loop3A_172 : vector<16xf32>
        %parallel_loop3A_174 = arith.index_cast %rem3A_82 : i32 to index
        %parallel_loop3A_175 = arith.index_cast %parallel_loop3A_124 : i32 to index
        %parallel_loop3A_176 = arith.constant 32 : index
        %parallel_loop3A_177 = tpu.vector_load %arg11[%parallel_loop3A_174, %parallel_loop3A_175, %parallel_loop3A_176] {strides = array<i32>} : memref<2x128x64xf32, #tpu.memory_space<vmem>>, vector<16xf32>,
        tpu.vector_store %arg11[%parallel_loop3A_174, %parallel_loop3A_175, %parallel_loop3A_176], %parallel_loop3A_173 {strides = array<i32>} : memref<2x128x64xf32, #tpu.memory_space<vmem>>, vector<16xf32>,
        %parallel_loop3A_178 = arith.index_cast %rem3A_82 : i32 to index
        %parallel_loop3A_179 = arith.index_cast %parallel_loop3A_124 : i32 to index
        %parallel_loop3A_180 = arith.constant 48 : index
        %parallel_loop3A_181 = tpu.vector_load %arg10[%parallel_loop3A_178, %parallel_loop3A_179, %parallel_loop3A_180] {strides = array<i32>} : memref<2x128x128xf32, #tpu.memory_space<vmem>>, vector<16xf32>,
        %parallel_loop3A_182 = arith.index_cast %rem3A_82 : i32 to index
        %parallel_loop3A_183 = arith.index_cast %parallel_loop3A_124 : i32 to index
        %parallel_loop3A_184 = arith.constant 112 : index
        %parallel_loop3A_185 = tpu.vector_load %arg10[%parallel_loop3A_182, %parallel_loop3A_183, %parallel_loop3A_184] {strides = array<i32>} : memref<2x128x128xf32, #tpu.memory_space<vmem>>, vector<16xf32>,
        %parallel_loop3A_186 = arith.mulf %parallel_loop3A_132, %parallel_loop3A_181 : vector<16xf32>
        %parallel_loop3A_187 = arith.mulf %parallel_loop3A_129, %parallel_loop3A_185 : vector<16xf32>
        %parallel_loop3A_188 = arith.addf %parallel_loop3A_186, %parallel_loop3A_187 : vector<16xf32>
        %parallel_loop3A_189 = arith.index_cast %rem3A_82 : i32 to index
        %parallel_loop3A_190 = arith.index_cast %parallel_loop3A_124 : i32 to index
        %parallel_loop3A_191 = arith.constant 48 : index
        %parallel_loop3A_192 = tpu.vector_load %arg11[%parallel_loop3A_189, %parallel_loop3A_190, %parallel_loop3A_191] {strides = array<i32>} : memref<2x128x64xf32, #tpu.memory_space<vmem>>, vector<16xf32>,
        tpu.vector_store %arg11[%parallel_loop3A_189, %parallel_loop3A_190, %parallel_loop3A_191], %parallel_loop3A_188 {strides = array<i32>} : memref<2x128x64xf32, #tpu.memory_space<vmem>>, vector<16xf32>,
      } {sc.loop_unroll_factor = 1 : i64, sc.parallel_access}
      %mul3A_107 = arith.constant 128 : i32
      %mul3A_108 = arith.muli %scan3A_79, %mul3A_107 : i32
      %add3A_109 = arith.addi %mul3A_18, %mul3A_108 : i32
      %multiple_of3A_110 = tpu.assume_multiple %add3A_109, 128 : i32
      %dma_start3A_111 = arith.constant 0 : i32
      %dma_start3A_112 = arith.constant 0 : i32
      %dma_start3A_113 = tpu.memref_slice %arg11[%rem3A_82, %dma_start3A_111, %dma_start3A_112] : memref<2x128x64xf32, #tpu.memory_space<vmem>> -> memref<1x128x64xf32, #tpu.memory_space<vmem>>
      %dma_start3A_114 = tpu.memref_squeeze %dma_start3A_113 : memref<1x128x64xf32, #tpu.memory_space<vmem>> -> memref<128x64xf32, #tpu.memory_space<vmem>>
      %dma_start3A_115 = arith.constant 0 : i32
      %dma_start3A_116 = tpu.memref_slice %arg5[%multiple_of3A_110, %dma_start3A_115] : memref<524288x64xf32, #tpu.memory_space<hbm>> -> memref<128x64xf32, #tpu.memory_space<hbm>>
      %dma_start3A_117 = arith.constant 0 : i32
      %dma_start3A_118 = tpu.memref_slice %arg5[%multiple_of3A_110, %dma_start3A_117] : memref<524288x64xf32, #tpu.memory_space<hbm>> -> memref<128x64xf32, #tpu.memory_space<hbm>>
      %dma_start3A_119 = arith.constant 0 : i32
      %dma_start3A_120 = arith.constant 0 : i32
      %dma_start3A_121 = tpu.memref_slice %arg11[%rem3A_82, %dma_start3A_119, %dma_start3A_120] : memref<2x128x64xf32, #tpu.memory_space<vmem>> -> memref<1x128x64xf32, #tpu.memory_space<vmem>>
      %dma_start3A_122 = tpu.memref_squeeze %dma_start3A_121 : memref<1x128x64xf32, #tpu.memory_space<vmem>> -> memref<128x64xf32, #tpu.memory_space<vmem>>
      tpu.enqueue_dma source(%dma_start3A_122 : memref<128x64xf32, #tpu.memory_space<vmem>>) target(%dma_start3A_118 : memref<128x64xf32, #tpu.memory_space<hbm>>) target_semaphore(%arg13 : memref<!tpu.dma_semaphore, #tpu.memory_space<semaphore_mem>>)
      %scan3A_123 = arith.constant 0 : i32
      scf.yield %scan3A_123 : i32
    }
    %scan3A_43 = arith.constant 128 : i32
    %rem3A_44 = arith.constant 126 : i32
    %rem3A_45 = arith.constant 2 : i32
    %rem3A_46 = arith.remsi %rem3A_44, %rem3A_45 : i32
    %add3A_47 = arith.constant 16128 : i32
    %add3A_48 = arith.addi %mul3A_18, %add3A_47 : i32
    %multiple_of3A_49 = tpu.assume_multiple %add3A_48, 128 : i32
    %dma_wait3A = arith.constant 0 : i32
    %dma_wait3A_50 = arith.constant 0 : i32
    %dma_wait3A_51 = tpu.memref_slice %arg11[%rem3A_46, %dma_wait3A, %dma_wait3A_50] : memref<2x128x64xf32, #tpu.memory_space<vmem>> -> memref<1x128x64xf32, #tpu.memory_space<vmem>>
    %dma_wait3A_52 = tpu.memref_squeeze %dma_wait3A_51 : memref<1x128x64xf32, #tpu.memory_space<vmem>> -> memref<128x64xf32, #tpu.memory_space<vmem>>
    %dma_wait3A_53 = arith.constant 0 : i32
    %dma_wait3A_54 = tpu.memref_slice %arg5[%multiple_of3A_49, %dma_wait3A_53] : memref<524288x64xf32, #tpu.memory_space<hbm>> -> memref<128x64xf32, #tpu.memory_space<hbm>>
    %dma_wait3A_55 = arith.constant 0 : i32
    %dma_wait3A_56 = tpu.memref_slice %arg5[%multiple_of3A_49, %dma_wait3A_55] : memref<524288x64xf32, #tpu.memory_space<hbm>> -> memref<128x64xf32, #tpu.memory_space<hbm>>
    %dma_wait3A_57 = arith.constant 0 : i32
    %dma_wait3A_58 = arith.constant 0 : i32
    %dma_wait3A_59 = tpu.memref_slice %arg11[%rem3A_46, %dma_wait3A_57, %dma_wait3A_58] : memref<2x128x64xf32, #tpu.memory_space<vmem>> -> memref<1x128x64xf32, #tpu.memory_space<vmem>>
    %dma_wait3A_60 = tpu.memref_squeeze %dma_wait3A_59 : memref<1x128x64xf32, #tpu.memory_space<vmem>> -> memref<128x64xf32, #tpu.memory_space<vmem>>
    tpu.wait_dma2 semaphore(%arg13 : memref<!tpu.dma_semaphore, #tpu.memory_space<semaphore_mem>>) src(%dma_wait3A_60 : memref<128x64xf32, #tpu.memory_space<vmem>>) dst(%dma_wait3A_56 : memref<128x64xf32, #tpu.memory_space<hbm>>)
    %rem3A_61 = arith.constant 127 : i32
    %rem3A_62 = arith.constant 2 : i32
    %rem3A_63 = arith.remsi %rem3A_61, %rem3A_62 : i32
    %add3A_64 = arith.constant 16256 : i32
    %add3A_65 = arith.addi %mul3A_18, %add3A_64 : i32
    %multiple_of3A_66 = tpu.assume_multiple %add3A_65, 128 : i32
    %dma_wait3A_67 = arith.constant 0 : i32
    %dma_wait3A_68 = arith.constant 0 : i32
    %dma_wait3A_69 = tpu.memref_slice %arg11[%rem3A_63, %dma_wait3A_67, %dma_wait3A_68] : memref<2x128x64xf32, #tpu.memory_space<vmem>> -> memref<1x128x64xf32, #tpu.memory_space<vmem>>
    %dma_wait3A_70 = tpu.memref_squeeze %dma_wait3A_69 : memref<1x128x64xf32, #tpu.memory_space<vmem>> -> memref<128x64xf32, #tpu.memory_space<vmem>>
    %dma_wait3A_71 = arith.constant 0 : i32
    %dma_wait3A_72 = tpu.memref_slice %arg5[%multiple_of3A_66, %dma_wait3A_71] : memref<524288x64xf32, #tpu.memory_space<hbm>> -> memref<128x64xf32, #tpu.memory_space<hbm>>
    %dma_wait3A_73 = arith.constant 0 : i32
    %dma_wait3A_74 = tpu.memref_slice %arg5[%multiple_of3A_66, %dma_wait3A_73] : memref<524288x64xf32, #tpu.memory_space<hbm>> -> memref<128x64xf32, #tpu.memory_space<hbm>>
    %dma_wait3A_75 = arith.constant 0 : i32
    %dma_wait3A_76 = arith.constant 0 : i32
    %dma_wait3A_77 = tpu.memref_slice %arg11[%rem3A_63, %dma_wait3A_75, %dma_wait3A_76] : memref<2x128x64xf32, #tpu.memory_space<vmem>> -> memref<1x128x64xf32, #tpu.memory_space<vmem>>
    %dma_wait3A_78 = tpu.memref_squeeze %dma_wait3A_77 : memref<1x128x64xf32, #tpu.memory_space<vmem>> -> memref<128x64xf32, #tpu.memory_space<vmem>>
    tpu.wait_dma2 semaphore(%arg13 : memref<!tpu.dma_semaphore, #tpu.memory_space<semaphore_mem>>) src(%dma_wait3A_78 : memref<128x64xf32, #tpu.memory_space<vmem>>) dst(%dma_wait3A_74 : memref<128x64xf32, #tpu.memory_space<hbm>>)
    return
  }
}

</mosaic_0001>

<sc_bundles>
// kernel: kernel.3.cloned.1.call-start
scs
__scs_entry_jumppad:
0x0: {  	(pc) =	sbr.rel $0x88, $3  }
0x1: {  	(tag) =	ssettag $0x0;
	lr =	simm.s32 $0x1  }
0x2: {  	[smem:$0x3F9E] =	sst lr;
	_ =	strace $0xD0000000  }
0x3: {  	_ = 	snop  }
0x4: {  	_ = 	snop  }
0x5: {  	_ = 	snop  }
0x6: {  	_ = 	snop  }
0x7: {  	_ = 	snop  }
__scs_overlays_trampoline_lowered:
0x8: {  	[smem:$0x3FAD] =	sst s0  }
0x9: {  	[smem:$0x3FAE] =	sst s1  }
0xa: {  	[smem:$0x3FAF] =	sst s2  }
0xb: {  	[smem:$0x3FB0] =	sst s3  }
0xc: {  	[smem:$0x3FB1] =	sst s4  }
0xd: {  	[smem:$0x3FB2] =	sst s5  }
0xe: {  	[smem:$0x3FB3] =	sst s6  }
0xf: {  	[smem:$0x3FB4] =	sst s7  }
0x10: {  	[smem:$0x3FB5] =	sst s8  }
0x11: {  	[smem:$0x3FB6] =	sst s9;
	s0 =	simm.s32 @!p0 $0x0  }
0x12: {  	s1 =	sld [smem:$0x3F9C];
	s0 =	simm.s32 @p0 $0x1  }
0x13: {  	[smem:$0x3FB7] =	sst s0;
	s0 =	simm.s32 @!p1 $0x0  }
0x14: {  	s2 =	sld [smem:$0x3F9B];
	s0 =	simm.s32 @p1 $0x1  }
0x15: {  	[smem:$0x3FB8] =	sst s0;
	s0 =	simm.s32 @!p2 $0x0  }
0x16: {  	s3 =	sld [smem:$0x3FDB];
	s0 =	simm.s32 @p2 $0x1  }
0x17: {  	s4 =	simm.s32 $0x1BF5;
	[smem:$0x3FBA] =	sst s0  }
0x18: {  	s0 =	sld [smem:$0x3F9D];
	_ =	swait.ge [sflag:s4], $0x0  }
0x19: {  	s7 =	sld [smem:$0x3F9E]  }
0x1a: {  	s8 =	sadd.s32 $0xFFFFE003, lr  }
0x1b: {  	s9 =	sadd.s32 $0xFFFFFEF7, lr;
	s5 =	simm.s32 $0xFFFFFFFF;
	p2 =	slt.u32 s8, $0xFFFFF086  }
0x1c: {  	p1 =	slt.u32 s9, $0xF7A;
	s5 =	simm.s32 @!p2 $0x0  }
0x1d: {  	s5 =	simm.s32 @p1 $0x1;
	p0 =	seq.s32 s7, s2  }
0x1e: {  	s7 =	smul.u32 @!p0 $0xF7A, s2;
	p2 =	seq.s32 @!p0 s5, $0x0  }
0x1f: {  	s9 =	smul.u32 $0xF7A, s1;
	s8 =	simm.s32 @!p0 $0x1BF5;
	p2 =	por !p2, p0  }
0x20: {  	[sflag:s8] =	ssyncset.s32 @!p0 $0xFFFFF086;
	s6 =	sadd.s32 @!p0 s3, s7;
	s7 =	simm.s32 @!p0 $0x108  }
0x21: {  	s3 =	sadd.s32 s3, s9;
	s6 =	sadd.s32 @!p0 $0x88, s6;
	s7 =	simm.s32 @p2 $0x1082  }
0x22: {  	[simem:s7], [sflag:s8] =	dma.local @!p0 [hbm:s6], $0xF7A  }
0x23: {  	s9 =	sor.u32 $0xD0000000, s2;
	s6 =	simm.s32 $0x108;
	_ =	swait.ge @!p0 [sflag:s8], $0x0  }
0x24: {  	s3 =	sadd.s32 $0x88, s3;
	s6 =	simm.s32 @!p1 $0x1082;
	[sflag:s4] =	ssyncset.s32 $0xFFFFF086  }
0x25: {  	[simem:s6], [sflag:s4] =	dma.local [hbm:s3], $0xF7A  }
0x26: {  	[smem:$0x3F9E] =	sst s1;
	(tag) =	ssettag s2;
	_ =	strace s9  }
0x27: {  	s1 =	sld [smem:$0x3FAE]  }
0x28: {  	s2 =	sld [smem:$0x3FAF]  }
0x29: {  	s4 =	sld [smem:$0x3FB1]  }
0x2a: {  	p0 =	seq.s32 s5, $0x0;
	s5 =	sld [smem:$0x3FB2]  }
0x2b: {  	s6 =	sld [smem:$0x3FB3]  }
0x2c: {  	s7 =	sld [smem:$0x3FB4]  }
0x2d: {  	s3 =	simm.s32 $0x108;
	s8 =	sld [smem:$0x3FB5]  }
0x2e: {  	s3 =	simm.s32 @!p0 $0x1082;
	s9 =	sld [smem:$0x3FB6]  }
0x2f: {  	lr =	sadd.s32 s0, s3;
	s0 =	sld [smem:$0x3FAD]  }
0x30: {  	s3 =	sld [smem:$0x3FB0]  }
0x31: {  	[smem:$0x3FB9] =	sst s10  }
0x32: {  	s10 =	sld [smem:$0x3FB7];
	_ =	sdelay $0x3  }
0x33: {  	p0 =	seq.s32 s10, $0x1;
	s10 =	sld [smem:$0x3FB9];
	_ =	sdelay $0x3  }
0x34: {  	[smem:$0x3FB9] =	sst s10  }
0x35: {  	s10 =	sld [smem:$0x3FB8];
	_ =	sdelay $0x3  }
0x36: {  	p1 =	seq.s32 s10, $0x1;
	s10 =	sld [smem:$0x3FB9];
	_ =	sdelay $0x3  }
0x37: {  	[smem:$0x3FB9] =	sst s10  }
0x38: {  	s10 =	sld [smem:$0x3FBA]  }
0x39: {  	_ = 	snop;
	(pc) =	sbr.ind lr, $3  }
0x3a: {  	_ = 	snop  }
0x3b: {  	_ = 	snop  }
0x3c: {  	p2 =	seq.s32 s10, $0x1;
	s10 =	sld [smem:$0x3FB9]  }
0x3d: {  	_ =	shalt  }
0x3e: {  	_ =	shalt  }
0x3f: {  	_ =	shalt  }
0x40: {  	_ =	shalt  }
0x41: {  	_ =	shalt  }
0x42: {  	_ =	shalt  }
0x43: {  	_ =	shalt  }
0x44: {  	_ =	shalt  }
0x45: {  	_ =	shalt  }
0x46: {  	_ =	shalt  }
0x47: {  	_ =	shalt  }
0x48: {  	_ =	shalt  }
0x49: {  	_ =	shalt  }
0x4a: {  	_ =	shalt  }
0x4b: {  	_ =	shalt  }
0x4c: {  	_ =	shalt  }
0x4d: {  	_ =	shalt  }
0x4e: {  	_ =	shalt  }
0x4f: {  	_ =	shalt  }
0x50: {  	_ =	shalt  }
0x51: {  	_ =	shalt  }
0x52: {  	_ =	shalt  }
0x53: {  	_ =	shalt  }
0x54: {  	_ =	shalt  }
0x55: {  	_ =	shalt  }
0x56: {  	_ =	shalt  }
0x57: {  	_ =	shalt  }
0x58: {  	_ =	shalt  }
0x59: {  	_ =	shalt  }
0x5a: {  	_ =	shalt  }
0x5b: {  	_ =	shalt  }
0x5c: {  	_ =	shalt  }
0x5d: {  	_ =	shalt  }
0x5e: {  	_ =	shalt  }
0x5f: {  	_ =	shalt  }
0x60: {  	_ =	shalt  }
0x61: {  	_ =	shalt  }
0x62: {  	_ =	shalt  }
0x63: {  	_ =	shalt  }
0x64: {  	_ =	shalt  }
0x65: {  	_ =	shalt  }
0x66: {  	_ =	shalt  }
0x67: {  	_ =	shalt  }
0x68: {  	_ =	shalt  }
0x69: {  	_ =	shalt  }
0x6a: {  	_ =	shalt  }
0x6b: {  	_ =	shalt  }
0x6c: {  	_ =	shalt  }
0x6d: {  	_ =	shalt  }
0x6e: {  	_ =	shalt  }
0x6f: {  	_ =	shalt  }
0x70: {  	_ =	shalt  }
0x71: {  	_ =	shalt  }
0x72: {  	_ =	shalt  }
0x73: {  	_ =	shalt  }
0x74: {  	_ =	shalt  }
0x75: {  	_ =	shalt  }
0x76: {  	_ =	shalt  }
0x77: {  	_ =	shalt  }
0x78: {  	_ =	shalt  }
0x79: {  	_ =	shalt  }
0x7a: {  	_ =	shalt  }
0x7b: {  	_ =	shalt  }
0x7c: {  	_ =	shalt  }
0x7d: {  	_ =	shalt  }
0x7e: {  	_ =	shalt  }
0x7f: {  	_ =	shalt  }
0x80: {  	_ =	shalt  }
0x81: {  	_ =	shalt  }
0x82: {  	_ =	shalt  }
0x83: {  	_ =	shalt  }
0x84: {  	_ =	shalt  }
0x85: {  	_ =	shalt  }
0x86: {  	_ =	shalt  }
0x87: {  	_ =	shalt  }
.Lfunc_end0:
.L_simem_size_0:
called_computation.2_lowered:
.L_overlay_start_0:
0x88: {  	s2 =	sld [smem:$0x3FD9]  }
0x89: {  	s3 =	sld [smem:$0x3FFE];
	_ =	sdelay $0x1  }
0x8a: {  	s1 =	srdreg.scid  }
0x8b: {  	s0 =	sand.u32 $0x1, s1  }
0x8c: {  	s17 =	sshll.u32 s0, $0xA;
	s2 =	sadd.s32 s3, s2  }
0x8d: {  	s2 =	sadd.s32 s2, s17  }
0x8e: {  	[smem:$0x3FC5] =	sst s2  }
0x8f: {  	_ = 	snop  }
0x90: {  	s2 =	sld [smem:$0x3FC8]  }
0x91: {  	s18 =	sld [smem:$0x3FC7];
	(tm) =	ssettm $0x1  }
0x92: {  	s4 =	sld [smem:$0x3FFB];
	_ =	sdelay $0x3  }
0x93: {  	_ =	strace s4  }
0x94: {  	s4 =	sld [smem:$0x3FFC];
	_ =	sdelay $0x3  }
0x95: {  	_ =	strace s4  }
0x96: {  	s4 =	sld [smem:$0x3FFD];
	_ =	sdelay $0x3  }
0x97: {  	_ =	strace s4  }
0x98: {  	_ =	strace $0x8FFFFFFF  }
0x99: {  	s19 =	sld [smem:$0x3FDB];
	_ =	sdelay $0x1  }
0x9a: {  	s5 =	simm.s32 $_scs_section_size  }
0x9b: {  	s6 =	simm.s32 $_size__tile_overlayer_lowered;
	s7 =	simm.s32 $_tile_overlayer_lowered  }
0x9c: {  	s22 =	simm.s32 $0x1BFF;
	s21 =	sshll.u32 s7, $0x1;
	s4 =	sadd.s32 s5, s19  }
0x9d: {  	s8 =	simm.s32 $0x0;
	s20 =	sshll.u32 s6, $0x1;
	s6 =	sadd.s32 s21, s4  }
0x9e: {  	[timem:s8], [sflag:s22] =	dma.local [hbm:s6], s20  }
0x9f: {  	_ =	swait.ge [sflag:s22], s20  }
0xa0: {  	s5 =	ssub.s32 $0x0, s20;
	[sflag:s22] =	ssyncset.done $0x0  }
0xa1: {  	[sflag:s22] =	ssyncadd.s32 s5;
	_ =	sdelay $0x1  }
0xa2: {  	s23 =	simm.s32 $0x1B8B  }
0xa3: {  	_ =	swait.ge [sflag:s23], $0x1  }
0xa4: {  	[sflag:s23] =	ssyncset.done $0x0  }
0xa5: {  	s25 =	simm.s32 $0x1B8E;
	s24 =	sld [smem:$0x3FFE];
	[sflag:s23] =	ssyncadd.s32 $0xFFFFFFFF  }
0xa6: {  	s26 =	simm.s32 $execute0_lowered;
	[smem:$0x3FD2] =	sst s25  }
0xa7: {  	s6 =	sshll.u32 s26, $0x1;
	_ =	strace $0x80000049;
	[dreg:$0x1] =	wrdreg $0xFFFFFFFF  }
0xa8: {  	s28 =	simm.s32 $_size_execute0_lowered;
	s4 =	sadd.s32 s4, s6;
	[dreg:$0x0] =	wrdreg $0x0  }
0xa9: {  	s6 =	sshll.u32 s28, $0x1;
	[dreg:$0x2] =	wrdreg s4  }
0xaa: {  	[dreg:$0x3] =	wrdreg s6  }
0xab: {  	[dreg:$0x4] =	wrdreg $0xC0  }
0xac: {  	_ =	task [dreg:s8], $0x5FFFF  }
0xad: {  	[dreg:$0x1] =	wrdreg $0xFFFFFFFF  }
0xae: {  	[dreg:$0x0] =	wrdreg $0x60  }
0xaf: {  	[dreg:$0x2] =	wrdreg s24  }
0xb0: {  	[dreg:$0x3] =	wrdreg s2  }
0xb1: {  	[dreg:$0x4] =	wrdreg s18  }
0xb2: {  	[dreg:$0x5] =	wrdreg $0x9  }
0xb3: {  	_ =	task.clear_ibuf [dreg:s8], $0x6FFFF;
	_ =	strace $0x90000049  }
0xb4: {  	s29 =	simm.s32 $0x9;
	_ =	strace $0x8000004B  }
0xb5: {  	_ =	swait.ge [sflag:s29], $0x1  }
0xb6: {  	[sflag:s29] =	ssyncadd.s32 $0xFFFFFFFF  }
0xb7: {  	_ =	strace $0x9000004B  }
0xb8: {  	_ =	sfence  }
0xb9: {  	s30 =	sld [smem:$0x0];
	_ =	sdelay $0x2  }
0xba: {  	s31 =	sshll.u32 s1, $0xD;
	s1 =	sshrl.u32 s1, $0x2  }
0xbb: {  	s3 =	sand.u32 $0x4000, s31;
	s1 =	sadd.s32 s1, s30  }
0xbc: {  	s0 =	sor.u32 s3, s0;
	s1 =	sshll.u32 s1, $0x11  }
0xbd: {  	s0 =	sor.u32 s1, s0  }
0xbe: {  	s0 =	sadd.s32 $0x8F2B, s0  }
0xbf: {  	[sflag:s0] =	ssyncadd.remote.s32 $0x1  }
0xc0: {  	_ =	sfence.sel $0xFFFF  }
0xc1: {  	[dreg:$0x0] =	wrdreg $0xFFFFFFFF;
	(pc) =	sbr.abs _section_cstart, $3  }
0xc2: {  	[dreg:$0x1] =	wrdreg $0xFFFFFFFF  }
0xc3: {  	_ =	task.clear_ibuf [dreg:s8], $0x2FFFF;
	_ =	strace $0x9FFFFFFF  }
0xc4: {  	(tm) =	ssettm $0x7FFFFFFF  }
0xc5: {  	_ =	shalt  }
tec
execute0_lowered:
.L_overlay_start_1:
0x0: {  	(tag) =	ssettag $0x1  }
0x1: {  	s4 =	rddreg [dreg:$0x0]  }
0x2: {  	s5 =	rddreg [dreg:$0x1]  }
0x3: {  	s6 =	rddreg [dreg:$0x2]  }
0x4: {  	s0 =	rddreg [dreg:$0x3];
	s2 =	simm.s32 $0x0  }
0x5: {  	s3 =	srdreg.scid;
	s1 =	stileid.u32;
	s11 =	simm.s32 $0x6000  }
0x6: {  	s12 =	simm.s32 $0x6200;
	s13 =	simm.s32 $0x1;
	s15 =	simm.s32 $0x2  }
0x7: {  	s16 =	simm.s32 $0x0;
	[smem:$0x7FF] =	sst s2;
	s7 =	sand.u32 $0x1, s3  }
0x8: {  	s8 =	sshll.u32 s1, $0x1;
	s3 =	sadd.s32 $0x1C00, s4;
	s9 =	sshll.u32 s1, $0xC  }
0x9: {  	_ =	strace $0x8000004A;
	s8 =	sor.u32 s7, s8;
	s7 =	ssub.s32 $0x2, s7  }
0xa: {  	s14 =	sand.u32 $0xE000, s9;
	s9 =	simm.s32 $0x2000;
	s10 =	sshll.u32 s8, $0x12  }
0xb: {  	s29 =	sshrl.u32 s7, $0x1;
	s30 =	sshrl.u32 s14, $0x3;
	s31 =	sshll.u32 s8, $0xB  }
0xc: {  	s8 =	simm.s32 $0x3;
	v0 =	vmov s14;
	s14 =	simm.s32 $0x6100;
	s28 =	sadd.s32 s10, s4  }
0xd: {  	s7 =	ssub.s32 s7, s29;
	s4 =	sadd.s32 s5, s30;
	s5 =	sadd.s32 s6, s31  }
0xe: {  	v1 =	vimm.s32 $0x1000;
	v2 =	vimm.s32 $0x0;
	s10 =	simm.s32 $0x80;
	s6 =	sadd.s32 $0x101C00, s28;
	s7 =	smax.u32 s7, $0x1  }
.LBB2_1:
0xf: {  	[tilespmem:s2], [sflag:$0x3] =	stream.linear.gather [hbm4b:s4+s2], $0x2000, $0x38;
	[tilespmem:$0x16200] =	vst v63  }
0x10: {  	_ =	swait.ge [sflag:s8], $0x2000  }
0x11: {  	[sflag:s8] =	ssyncset.done $0x0  }
0x12: {  	[sflag:s8] =	ssyncadd.s32 $0xFFFFE000  }
0x13: {  	[tilespmem:s9], [sflag:$0x3] =	stream.linear.gather [hbm4b:s5+s2], $0x4000, $0x38;
	[tilespmem:$0x16200] =	vst v63  }
0x14: {  	_ =	swait.ge [sflag:s8], $0x4000  }
0x15: {  	[sflag:s8] =	ssyncset.done $0x0  }
0x16: {  	[sflag:s8] =	ssyncadd.s32 $0xFFFFC000  }
0x17: {  	s17 =	simm.s32 $0x0;
	v4 =	vld.idx.msk [tilespmem:v1+s2+$0x0], $0xffff  }
0x18: {  	v3 =	vld [tilespmem:s17+$0x2000];
	_ =	sdelay $0x4  }
0x19: {  	vm0 =	vle.f32 v4, v3  }
0x1a: {  	v4 =	vsel vm0, $0x1000, v2  }
0x1b: {  	v5 =	vor.u32 $0x800, v4;
	_ =	sdelay $0x4  }
0x1c: {  	v6 =	vld.idx.msk [tilespmem:v5+s2+$0x0], $0xffff;
	_ =	sdelay $0x4  }
0x1d: {  	vm15 =	vle.f32 v6, v3  }
0x1e: {  	v4 =	vsel vm15, v5, v4  }
0x1f: {  	v5 =	vor.u32 $0x400, v4;
	_ =	sdelay $0x4  }
0x20: {  	v6 =	vld.idx.msk [tilespmem:v5+s2+$0x0], $0xffff;
	_ =	sdelay $0x4  }
0x21: {  	vm4 =	vle.f32 v6, v3  }
0x22: {  	v5 =	vsel vm4, v5, v4  }
0x23: {  	s18 =	simm.s32 $0x10;
	v6 =	vld.idx.msk [tilespmem:v1+s2+$0x0], $0xffff;
	v7 =	vor.u32 $0x200, v5  }
0x24: {  	v4 =	vld [tilespmem:s18+$0x2000];
	_ =	sdelay $0x3  }
0x25: {  	v8 =	vld.idx.msk [tilespmem:v7+s2+$0x0], $0xffff  }
0x26: {  	vm5 =	vle.f32 v6, v4  }
0x27: {  	v6 =	vsel vm5, $0x1000, v2  }
0x28: {  	v9 =	vor.u32 $0x800, v6;
	_ =	sdelay $0x1  }
0x29: {  	vm6 =	vle.f32 v8, v3  }
0x2a: {  	v5 =	vsel vm6, v7, v5  }
0x2b: {  	v7 =	vadd.s32 $0x100, v5  }
0x2c: {  	v8 =	vld.idx.msk [tilespmem:v9+s2+$0x0], $0xffff;
	_ =	sdelay $0x3  }
0x2d: {  	v10 =	vld.idx.msk [tilespmem:v7+s2+$0x0], $0xffff  }
0x2e: {  	vm7 =	vle.f32 v8, v4  }
0x2f: {  	v6 =	vsel vm7, v9, v6  }
0x30: {  	v8 =	vor.u32 $0x400, v6;
	_ =	sdelay $0x1  }
0x31: {  	vm8 =	vle.f32 v10, v3  }
0x32: {  	v7 =	vsel vm8, v7, v5  }
0x33: {  	v9 =	vadd.s32 $0x80, v7  }
0x34: {  	v5 =	vld.idx.msk [tilespmem:v8+s2+$0x0], $0xffff;
	_ =	sdelay $0x2  }
0x35: {  	v10 =	vld.idx.msk [tilespmem:v1+s2+$0x0], $0xffff  }
0x36: {  	s19 =	simm.s32 $0x20;
	v11 =	vld.idx.msk [tilespmem:v9+s2+$0x0], $0xffff  }
0x37: {  	vm9 =	vle.f32 v5, v4;
	v5 =	vld [tilespmem:s19+$0x2000]  }
0x38: {  	v6 =	vsel vm9, v8, v6  }
0x39: {  	v8 =	vor.u32 $0x200, v6;
	_ =	sdelay $0x1  }
0x3a: {  	vm10 =	vle.f32 v11, v3  }
0x3b: {  	vm1 =	vle.f32 v10, v5;
	v7 =	vsel vm10, v9, v7  }
0x3c: {  	v9 =	vsel vm1, $0x1000, v2;
	v10 =	vadd.s32 $0x40, v7  }
0x3d: {  	v11 =	vld.idx.msk [tilespmem:v8+s2+$0x0], $0xffff;
	v12 =	vor.u32 $0x800, v9;
	_ =	sdelay $0x3  }
0x3e: {  	v13 =	vld.idx.msk [tilespmem:v10+s2+$0x0], $0xffff  }
0x3f: {  	vm11 =	vle.f32 v11, v4;
	v14 =	vld.idx.msk [tilespmem:v12+s2+$0x0], $0xffff  }
0x40: {  	v6 =	vsel vm11, v8, v6  }
0x41: {  	v8 =	vadd.s32 $0x100, v6;
	_ =	sdelay $0x1  }
0x42: {  	vm12 =	vle.f32 v13, v3  }
0x43: {  	vm13 =	vle.f32 v14, v5;
	v7 =	vsel vm12, v10, v7  }
0x44: {  	v9 =	vsel vm13, v12, v9;
	v10 =	vadd.s32 $0x20, v7  }
0x45: {  	v12 =	vld.idx.msk [tilespmem:v8+s2+$0x0], $0xffff;
	v11 =	vor.u32 $0x400, v9;
	_ =	sdelay $0x3  }
0x46: {  	v13 =	vld.idx.msk [tilespmem:v10+s2+$0x0], $0xffff  }
0x47: {  	vm14 =	vle.f32 v12, v4;
	v14 =	vld.idx.msk [tilespmem:v11+s2+$0x0], $0xffff  }
0x48: {  	v8 =	vsel vm14, v8, v6  }
0x49: {  	v12 =	vadd.s32 $0x80, v8;
	_ =	sdelay $0x1  }
0x4a: {  	s20 =	simm.s32 $0x30;
	vm15 =	vle.f32 v13, v3  }
0x4b: {  	v6 =	vld [tilespmem:s20+$0x2000];
	vm4 =	vle.f32 v14, v5;
	v7 =	vsel vm15, v10, v7  }
0x4c: {  	v13 =	vld.idx.msk [tilespmem:v1+s2+$0x0], $0xffff;
	v9 =	vsel vm4, v11, v9;
	v10 =	vadd.s32 $0x10, v7  }
0x4d: {  	v14 =	vld.idx.msk [tilespmem:v12+s2+$0x0], $0xffff;
	v11 =	vor.u32 $0x200, v9;
	_ =	sdelay $0x3  }
0x4e: {  	vm5 =	vle.f32 v13, v6;
	v13 =	vld.idx.msk [tilespmem:v10+s2+$0x0], $0xffff  }
0x4f: {  	v16 =	vsel vm5, $0x1000, v2;
	vm6 =	vle.f32 v14, v4;
	v15 =	vld.idx.msk [tilespmem:v11+s2+$0x0], $0xffff  }
0x50: {  	v14 =	vor.u32 $0x800, v16;
	v8 =	vsel vm6, v12, v8  }
0x51: {  	v12 =	vadd.s32 $0x40, v8;
	_ =	sdelay $0x1  }
0x52: {  	vm7 =	vle.f32 v13, v3  }
0x53: {  	vm8 =	vle.f32 v15, v5;
	v7 =	vsel vm7, v10, v7  }
0x54: {  	v10 =	vld.idx.msk [tilespmem:v14+s2+$0x0], $0xffff;
	v9 =	vsel vm8, v11, v9;
	v11 =	vadd.s32 $0x8, v7  }
0x55: {  	v13 =	vld.idx.msk [tilespmem:v12+s2+$0x0], $0xffff;
	v15 =	vadd.s32 $0x100, v9;
	_ =	sdelay $0x3  }
0x56: {  	vm9 =	vle.f32 v10, v6;
	v10 =	vld.idx.msk [tilespmem:v11+s2+$0x0], $0xffff  }
0x57: {  	vm10 =	vle.f32 v13, v4;
	v14 =	vsel vm9, v14, v16;
	v13 =	vld.idx.msk [tilespmem:v15+s2+$0x0], $0xffff  }
0x58: {  	v8 =	vsel vm10, v12, v8;
	v16 =	vor.u32 $0x400, v14  }
0x59: {  	v12 =	vadd.s32 $0x20, v8;
	_ =	sdelay $0x2  }
0x5a: {  	vm11 =	vle.f32 v10, v3;
	vm12 =	vle.f32 v13, v5  }
0x5b: {  	v10 =	vsel vm11, v11, v7;
	v11 =	vld.idx.msk [tilespmem:v16+s2+$0x0], $0xffff;
	v9 =	vsel vm12, v15, v9  }
0x5c: {  	v15 =	vld.idx.msk [tilespmem:v12+s2+$0x0], $0xffff;
	v17 =	vadd.s32 $0x80, v9  }
0x5d: {  	v13 =	vadd.s32 $0x4, v10;
	_ =	sdelay $0x1  }
0x5e: {  	s21 =	simm.s32 $0x40;
	v18 =	vld.idx.msk [tilespmem:v1+s2+$0x0], $0xffff  }
0x5f: {  	v7 =	vld [tilespmem:s21+$0x2000]  }
0x60: {  	vm13 =	vle.f32 v11, v6;
	vm14 =	vle.f32 v15, v4;
	v15 =	vld.idx.msk [tilespmem:v17+s2+$0x0], $0xffff  }
0x61: {  	v11 =	vld.idx.msk [tilespmem:v13+s2+$0x0], $0xffff;
	v14 =	vsel vm13, v16, v14  }
0x62: {  	v8 =	vsel vm14, v12, v8;
	v16 =	vor.u32 $0x200, v14  }
0x63: {  	v12 =	vadd.s32 $0x10, v8  }
0x64: {  	vm15 =	vle.f32 v18, v7  }
0x65: {  	v18 =	vsel vm15, $0x1000, v2;
	vm5 =	vle.f32 v15, v5  }
0x66: {  	vm4 =	vle.f32 v11, v3;
	v11 =	vor.u32 $0x800, v18;
	v9 =	vsel vm5, v17, v9  }
0x67: {  	v10 =	vsel vm4, v13, v10;
	v13 =	vld.idx.msk [tilespmem:v16+s2+$0x0], $0xffff;
	v19 =	vadd.s32 $0x40, v9  }
0x68: {  	v17 =	vld.idx.msk [tilespmem:v12+s2+$0x0], $0xffff;
	v15 =	vadd.s32 $0x2, v10;
	_ =	sdelay $0x2  }
0x69: {  	v20 =	vld.idx.msk [tilespmem:v11+s2+$0x0], $0xffff  }
0x6a: {  	vm6 =	vle.f32 v13, v6;
	v21 =	vld.idx.msk [tilespmem:v19+s2+$0x0], $0xffff  }
0x6b: {  	vm7 =	vle.f32 v17, v4;
	v13 =	vld.idx.msk [tilespmem:v15+s2+$0x0], $0xffff;
	v14 =	vsel vm6, v16, v14  }
0x6c: {  	v8 =	vsel vm7, v12, v8;
	v16 =	vadd.s32 $0x100, v14  }
0x6d: {  	v12 =	vadd.s32 $0x8, v8  }
0x6e: {  	vm8 =	vle.f32 v20, v7  }
0x6f: {  	v11 =	vsel vm8, v11, v18;
	vm10 =	vle.f32 v21, v5  }
0x70: {  	vm9 =	vle.f32 v13, v3;
	v20 =	vor.u32 $0x400, v11;
	v9 =	vsel vm10, v19, v9  }
0x71: {  	v10 =	vsel vm9, v15, v10;
	v13 =	vld.idx.msk [tilespmem:v16+s2+$0x0], $0xffff;
	v23 =	vadd.s32 $0x20, v9  }
0x72: {  	v18 =	vld.idx.msk [tilespmem:v12+s2+$0x0], $0xffff;
	v15 =	vadd.s32 $0x1, v10;
	_ =	sdelay $0x2  }
0x73: {  	v19 =	vld.idx.msk [tilespmem:v20+s2+$0x0], $0xffff  }
0x74: {  	vm11 =	vle.f32 v13, v6;
	v24 =	vld.idx.msk [tilespmem:v23+s2+$0x0], $0xffff  }
0x75: {  	vm12 =	vle.f32 v18, v4;
	v21 =	vld.idx.msk [tilespmem:v15+s2+$0x0], $0xffff;
	v17 =	vsel vm11, v16, v14  }
0x76: {  	v12 =	vsel vm12, v12, v8;
	v18 =	vadd.s32 $0x80, v17  }
0x77: {  	v13 =	vadd.s32 $0x4, v12  }
0x78: {  	vm13 =	vle.f32 v19, v7  }
0x79: {  	s22 =	simm.s32 $0x50;
	v22 =	vld.idx.msk [tilespmem:v1+s2+$0x0], $0xffff;
	v19 =	vsel vm13, v20, v11;
	vm15 =	vle.f32 v24, v5  }
0x7a: {  	v8 =	vld [tilespmem:s22+$0x2000];
	vm14 =	vle.f32 v21, v3;
	v20 =	vor.u32 $0x200, v19;
	v14 =	vsel vm15, v23, v9  }
0x7b: {  	v10 =	vsel vm14, v15, v10;
	v21 =	vld.idx.msk [tilespmem:v18+s2+$0x0], $0xffff;
	v16 =	vadd.s32 $0x10, v14  }
0x7c: {  	v15 =	vld.idx.msk [tilespmem:v13+s2+$0x0], $0xffff;
	v10 =	vmin.u32 v10, $0x1FFE  }
0x7d: {  	s23 =	simm.s32 $0x180;
	v11 =	vadd.s32 $0x1, v10;
	v9 =	vor.u32 v0, v10  }
.LBB2_2:
0x7e: {  	p0 =	sne.s32 s23, $0x1C0  }
0x7f: {  	vm0 =	vle.f32 v22, v8;
	v22 =	vld.idx.msk [tilespmem:v20+s2+$0x0], $0xffff  }
0x80: {  	v23 =	vsel vm0, $0x1000, v2;
	vm0 =	vle.f32 v21, v6;
	v21 =	vld.idx.msk [tilespmem:v16+s2+$0x0], $0xffff  }
0x81: {  	v24 =	vor.u32 $0x800, v23;
	v17 =	vsel vm0, v18, v17;
	vm0 =	vle.f32 v15, v4;
	v10 =	vld.idx.msk [tilespmem:v10+s2+$0x0], $0xffff  }
0x82: {  	v15 =	vadd.s32 $0x40, v17;
	v12 =	vsel vm0, v13, v12;
	v11 =	vld.idx.msk [tilespmem:v11+s2+$0x0], $0xffff;
	[tilespmem:s17+$0x6000] =	vst v9  }
0x83: {  	v9 =	vadd.s32 $0x2, v12;
	_ =	sdelay $0x2  }
0x84: {  	v13 =	vld.idx.msk [tilespmem:v24+s2+$0x0], $0xffff  }
0x85: {  	vm0 =	vle.f32 v22, v7;
	v18 =	vld.idx.msk [tilespmem:v15+s2+$0x0], $0xffff  }
0x86: {  	v19 =	vsel vm0, v20, v19;
	vm0 =	vle.f32 v21, v5;
	v11 =	vsub.f32 v11, v10;
	v20 =	vld.idx.msk [tilespmem:v9+s2+$0x0], $0xffff  }
0x87: {  	v21 =	vadd.s32 $0x100, v19;
	v14 =	vsel vm0, v16, v14  }
0x88: {  	v16 =	vadd.s32 $0x8, v14;
	v11 =	vmax.f32 v11, $9.999999930e-09  }
0x89: {  	(erf) = vrcp.f32 v11  }
0x8a: {  	vm0 =	vle.f32 v13, v8  }
0x8b: {  	v11 =	vsel vm0, v24, v23;
	vm0 =	vle.f32 v18, v6  }
0x8c: {  	v23 =	vor.u32 $0x400, v11;
	v15 =	vsel vm0, v15, v17;
	vm0 =	vle.f32 v20, v4;
	v13 =	vld.idx.msk [tilespmem:v21+s2+$0x0], $0xffff  }
0x8d: {  	v24 =	vadd.s32 $0x20, v15;
	v9 =	vsel vm0, v9, v12;
	v18 =	vld.idx.msk [tilespmem:v16+s2+$0x0], $0xffff  }
0x8e: {  	v25 =	vadd.s32 $0x1, v9;
	_ =	sdelay $0x2  }
0x8f: {  	v10 =	vsub.f32 v3, v10;
	v3 =	vmovc v4;
	v4 =	vmovc v5;
	v5 =	vmov v6;
	v6 =	vmov v7;
	v20 =	vld.idx.msk [tilespmem:v23+s2+$0x0], $0xffff  }
0x90: {  	v7 =	vmov v8;
	vm0 =	vle.f32 v13, v6;
	v26 =	vld.idx.msk [tilespmem:v24+s2+$0x0], $0xffff;
	v12 =	vpop (erf)  }
0x91: {  	v17 =	vsel vm0, v21, v19;
	vm0 =	vle.f32 v18, v4;
	v27 =	vld.idx.msk [tilespmem:v25+s2+$0x0], $0xffff;
	v8 =	vmul.f32 v12, v10  }
0x92: {  	v18 =	vadd.s32 $0x80, v17;
	v12 =	vsel vm0, v16, v14  }
0x93: {  	v13 =	vadd.s32 $0x4, v12;
	v8 =	vmax.f32 v8, $0.0e+00  }
0x94: {  	v8 =	vmin.f32 v8, $1.000000000e+00  }
0x95: {  	s24 =	sshra.s32 s23, $0x2;
	vm0 =	vle.f32 v20, v7;
	v22 =	vld.idx.msk [tilespmem:v1+s2+$0x0], $0xffff;
	[tilespmem:s17+$0x6100] =	vst v8;
	s17 =	smov.u32 s18;
	s18 =	smov.u32 s19  }
.Ltmp0:
0x96: {  	v19 =	vsel vm0, v23, v11;
	vm0 =	vle.f32 v26, v5;
	s19 =	smov.u32 s20;
	s20 =	smov.u32 s21;
	v8 =	vld [tilespmem:s24+$0x2000];
	(pc) =	sbr.rel @p0 .LBB2_2-.Ltmp0, $4  }
0x97: {  	s21 =	smov.u32 s22;
	s22 =	smov.u32 s24;
	v20 =	vor.u32 $0x200, v19;
	v14 =	vsel vm0, v24, v15;
	vm0 =	vle.f32 v27, v3;
	v21 =	vld.idx.msk [tilespmem:v18+s2+$0x0], $0xffff  }
0x98: {  	v16 =	vadd.s32 $0x10, v14;
	v9 =	vsel vm0, v25, v9;
	v15 =	vld.idx.msk [tilespmem:v13+s2+$0x0], $0xffff  }
0x99: {  	v10 =	vmin.u32 v9, $0x1FFE  }
0x9a: {  	s23 =	sadd.s32 $0x40, s23;
	v11 =	vadd.s32 $0x1, v10;
	v9 =	vor.u32 v0, v10  }
0x9b: {  	vm0 =	vle.f32 v22, v8  }
0x9c: {  	v22 =	vsel vm0, $0x1000, v2  }
0x9d: {  	v23 =	vor.u32 $0x800, v22;
	_ =	sdelay $0x4  }
0x9e: {  	v24 =	vld.idx.msk [tilespmem:v23+s2+$0x0], $0xffff;
	_ =	sdelay $0x4  }
0x9f: {  	vm14 =	vle.f32 v24, v8  }
0xa0: {  	v22 =	vsel vm14, v23, v22  }
0xa1: {  	v23 =	vor.u32 $0x400, v22;
	_ =	sdelay $0x4  }
0xa2: {  	v30 =	vld.idx.msk [tilespmem:v23+s2+$0x0], $0xffff;
	_ =	sdelay $0x4  }
0xa3: {  	vm15 =	vle.f32 v30, v8  }
0xa4: {  	v22 =	vsel vm15, v23, v22  }
0xa5: {  	v23 =	vor.u32 $0x200, v22;
	_ =	sdelay $0x2  }
0xa6: {  	v31 =	vld.idx.msk [tilespmem:v20+s2+$0x0], $0xffff;
	_ =	sdelay $0x1  }
0xa7: {  	v25 =	vld.idx.msk [tilespmem:v23+s2+$0x0], $0xffff;
	_ =	sdelay $0x2  }
0xa8: {  	vm4 =	vle.f32 v31, v7  }
0xa9: {  	v19 =	vsel vm4, v20, v19  }
0xaa: {  	v20 =	vadd.s32 $0x100, v19;
	vm5 =	vle.f32 v25, v8  }
0xab: {  	v22 =	vsel vm5, v23, v22  }
0xac: {  	v23 =	vadd.s32 $0x100, v22;
	_ =	sdelay $0x2  }
0xad: {  	v32 =	vld.idx.msk [tilespmem:v20+s2+$0x0], $0xffff;
	_ =	sdelay $0x1  }
0xae: {  	v33 =	vld.idx.msk [tilespmem:v23+s2+$0x0], $0xffff;
	_ =	sdelay $0x2  }
0xaf: {  	vm6 =	vle.f32 v32, v7  }
0xb0: {  	v19 =	vsel vm6, v20, v19  }
0xb1: {  	v20 =	vadd.s32 $0x80, v19;
	vm7 =	vle.f32 v33, v8  }
0xb2: {  	v22 =	vsel vm7, v23, v22  }
0xb3: {  	v23 =	vadd.s32 $0x80, v22;
	_ =	sdelay $0x2  }
0xb4: {  	v34 =	vld.idx.msk [tilespmem:v20+s2+$0x0], $0xffff;
	_ =	sdelay $0x1  }
0xb5: {  	v35 =	vld.idx.msk [tilespmem:v23+s2+$0x0], $0xffff  }
0xb6: {  	vm8 =	vle.f32 v21, v6  }
0xb7: {  	v17 =	vsel vm8, v18, v17  }
0xb8: {  	v18 =	vadd.s32 $0x40, v17;
	vm9 =	vle.f32 v34, v7  }
0xb9: {  	v19 =	vsel vm9, v20, v19  }
0xba: {  	v20 =	vadd.s32 $0x40, v19;
	vm10 =	vle.f32 v35, v8  }
0xbb: {  	v36 =	vsel vm10, v23, v22  }
0xbc: {  	v22 =	vadd.s32 $0x40, v36  }
0xbd: {  	v37 =	vld.idx.msk [tilespmem:v18+s2+$0x0], $0xffff;
	_ =	sdelay $0x1  }
0xbe: {  	v38 =	vld.idx.msk [tilespmem:v20+s2+$0x0], $0xffff;
	_ =	sdelay $0x1  }
0xbf: {  	v39 =	vld.idx.msk [tilespmem:v22+s2+$0x0], $0xffff  }
0xc0: {  	vm11 =	vle.f32 v37, v6  }
0xc1: {  	v17 =	vsel vm11, v18, v17  }
0xc2: {  	v18 =	vadd.s32 $0x20, v17;
	vm12 =	vle.f32 v38, v7  }
0xc3: {  	v19 =	vsel vm12, v20, v19  }
0xc4: {  	v20 =	vadd.s32 $0x20, v19;
	vm13 =	vle.f32 v39, v8  }
0xc5: {  	v21 =	vsel vm13, v22, v36  }
0xc6: {  	v22 =	vadd.s32 $0x20, v21  }
0xc7: {  	v40 =	vld.idx.msk [tilespmem:v18+s2+$0x0], $0xffff;
	_ =	sdelay $0x1  }
0xc8: {  	v41 =	vld.idx.msk [tilespmem:v20+s2+$0x0], $0xffff;
	_ =	sdelay $0x1  }
0xc9: {  	v42 =	vld.idx.msk [tilespmem:v22+s2+$0x0], $0xffff  }
0xca: {  	vm14 =	vle.f32 v40, v6  }
0xcb: {  	v17 =	vsel vm14, v18, v17  }
0xcc: {  	v18 =	vadd.s32 $0x10, v17;
	vm15 =	vle.f32 v41, v7  }
0xcd: {  	v19 =	vsel vm15, v20, v19  }
0xce: {  	v20 =	vadd.s32 $0x10, v19;
	vm4 =	vle.f32 v42, v8  }
0xcf: {  	v43 =	vld.idx.msk [tilespmem:v16+s2+$0x0], $0xffff;
	v21 =	vsel vm4, v22, v21  }
0xd0: {  	v22 =	vadd.s32 $0x10, v21  }
0xd1: {  	v44 =	vld.idx.msk [tilespmem:v18+s2+$0x0], $0xffff;
	_ =	sdelay $0x1  }
0xd2: {  	v45 =	vld.idx.msk [tilespmem:v20+s2+$0x0], $0xffff  }
0xd3: {  	vm5 =	vle.f32 v43, v5  }
0xd4: {  	v14 =	vsel vm5, v16, v14;
	v46 =	vld.idx.msk [tilespmem:v22+s2+$0x0], $0xffff  }
0xd5: {  	vm6 =	vle.f32 v44, v6;
	v47 =	vadd.s32 $0x8, v14  }
0xd6: {  	v17 =	vsel vm6, v18, v17  }
0xd7: {  	v18 =	vadd.s32 $0x8, v17;
	vm7 =	vle.f32 v45, v7  }
0xd8: {  	v19 =	vsel vm7, v20, v19  }
0xd9: {  	v20 =	vadd.s32 $0x8, v19;
	vm8 =	vle.f32 v46, v8  }
0xda: {  	v48 =	vld.idx.msk [tilespmem:v47+s2+$0x0], $0xffff;
	v21 =	vsel vm8, v22, v21  }
0xdb: {  	v22 =	vadd.s32 $0x8, v21  }
0xdc: {  	v49 =	vld.idx.msk [tilespmem:v18+s2+$0x0], $0xffff;
	_ =	sdelay $0x1  }
0xdd: {  	v50 =	vld.idx.msk [tilespmem:v20+s2+$0x0], $0xffff  }
0xde: {  	vm9 =	vle.f32 v48, v5  }
0xdf: {  	v14 =	vsel vm9, v47, v14;
	v51 =	vld.idx.msk [tilespmem:v22+s2+$0x0], $0xffff  }
0xe0: {  	v23 =	vadd.s32 $0x4, v14;
	vm10 =	vle.f32 v49, v6  }
0xe1: {  	v17 =	vsel vm10, v18, v17  }
0xe2: {  	v18 =	vadd.s32 $0x4, v17;
	vm11 =	vle.f32 v50, v7  }
0xe3: {  	v19 =	vsel vm11, v20, v19  }
0xe4: {  	v20 =	vadd.s32 $0x4, v19;
	vm12 =	vle.f32 v51, v8  }
0xe5: {  	v52 =	vld.idx.msk [tilespmem:v23+s2+$0x0], $0xffff;
	v21 =	vsel vm12, v22, v21  }
0xe6: {  	v22 =	vadd.s32 $0x4, v21  }
0xe7: {  	v53 =	vld.idx.msk [tilespmem:v18+s2+$0x0], $0xffff  }
0xe8: {  	vm13 =	vle.f32 v15, v4  }
0xe9: {  	v12 =	vsel vm13, v13, v12;
	v54 =	vld.idx.msk [tilespmem:v20+s2+$0x0], $0xffff  }
0xea: {  	vm14 =	vle.f32 v52, v5;
	v55 =	vadd.s32 $0x2, v12  }
0xeb: {  	v14 =	vsel vm14, v23, v14;
	v56 =	vld.idx.msk [tilespmem:v22+s2+$0x0], $0xffff  }
0xec: {  	v23 =	vadd.s32 $0x2, v14;
	vm15 =	vle.f32 v53, v6  }
0xed: {  	v17 =	vsel vm15, v18, v17  }
0xee: {  	v18 =	vadd.s32 $0x2, v17;
	vm4 =	vle.f32 v54, v7  }
0xef: {  	v57 =	vld.idx.msk [tilespmem:v55+s2+$0x0], $0xffff;
	v19 =	vsel vm4, v20, v19  }
0xf0: {  	v20 =	vadd.s32 $0x2, v19;
	vm5 =	vle.f32 v56, v8  }
0xf1: {  	v58 =	vld.idx.msk [tilespmem:v23+s2+$0x0], $0xffff;
	v21 =	vsel vm5, v22, v21  }
0xf2: {  	v22 =	vadd.s32 $0x2, v21  }
0xf3: {  	v59 =	vld.idx.msk [tilespmem:v18+s2+$0x0], $0xffff  }
0xf4: {  	vm6 =	vle.f32 v57, v4  }
0xf5: {  	v12 =	vsel vm6, v55, v12;
	v60 =	vld.idx.msk [tilespmem:v20+s2+$0x0], $0xffff  }
0xf6: {  	vm7 =	vle.f32 v58, v5;
	v15 =	vadd.s32 $0x1, v12  }
0xf7: {  	v14 =	vsel vm7, v23, v14;
	v61 =	vld.idx.msk [tilespmem:v22+s2+$0x0], $0xffff  }
0xf8: {  	v23 =	vadd.s32 $0x1, v14;
	vm8 =	vle.f32 v59, v6  }
0xf9: {  	v17 =	vsel vm8, v18, v17  }
0xfa: {  	v18 =	vadd.s32 $0x1, v17;
	vm9 =	vle.f32 v60, v7  }
0xfb: {  	v62 =	vld.idx.msk [tilespmem:v15+s2+$0x0], $0xffff;
	v19 =	vsel vm9, v20, v19  }
0xfc: {  	v20 =	vadd.s32 $0x1, v19;
	vm10 =	vle.f32 v61, v8  }
0xfd: {  	v63 =	vld.idx.msk [tilespmem:v23+s2+$0x0], $0xffff;
	v21 =	vsel vm10, v22, v21  }
0xfe: {  	v22 =	vadd.s32 $0x1, v21  }
0xff: {  	v28 =	vld.idx.msk [tilespmem:v18+s2+$0x0], $0xffff  }
0x100: {  	vm11 =	vle.f32 v62, v4  }
0x101: {  	v12 =	vsel vm11, v15, v12;
	v29 =	vld.idx.msk [tilespmem:v20+s2+$0x0], $0xffff  }
0x102: {  	v12 =	vmin.u32 v12, $0x1FFE;
	vm12 =	vle.f32 v63, v5  }
0x103: {  	v30 =	vadd.s32 $0x1, v12;
	v14 =	vsel vm12, v23, v14;
	v31 =	vld.idx.msk [tilespmem:v22+s2+$0x0], $0xffff  }
0x104: {  	vm13 =	vle.f32 v28, v6;
	v14 =	vmin.u32 v14, $0x1FFE  }
0x105: {  	v10 =	vld.idx.msk [tilespmem:v10+s2+$0x0], $0xffff;
	v17 =	vsel vm13, v18, v17;
	v32 =	vadd.s32 $0x1, v14  }
0x106: {  	v11 =	vld.idx.msk [tilespmem:v11+s2+$0x0], $0xffff;
	v17 =	vmin.u32 v17, $0x1FFE;
	vm14 =	vle.f32 v29, v7  }
0x107: {  	v33 =	vld.idx.msk [tilespmem:v12+s2+$0x0], $0xffff;
	v34 =	vadd.s32 $0x1, v17;
	v19 =	vsel vm14, v20, v19  }
0x108: {  	v15 =	vld.idx.msk [tilespmem:v30+s2+$0x0], $0xffff;
	v19 =	vmin.u32 v19, $0x1FFE;
	vm15 =	vle.f32 v31, v8  }
0x109: {  	v35 =	vld.idx.msk [tilespmem:v14+s2+$0x0], $0xffff;
	v36 =	vadd.s32 $0x1, v19;
	v21 =	vsel vm15, v22, v21  }
0x10a: {  	v37 =	vld.idx.msk [tilespmem:v32+s2+$0x0], $0xffff;
	v21 =	vmin.u32 v21, $0x1FFE  }
0x10b: {  	v11 =	vsub.f32 v11, v10;
	v38 =	vld.idx.msk [tilespmem:v17+s2+$0x0], $0xffff;
	v39 =	vadd.s32 $0x1, v21  }
0x10c: {  	v18 =	vld.idx.msk [tilespmem:v34+s2+$0x0], $0xffff  }
0x10d: {  	v11 =	vmax.f32 v11, $9.999999930e-09;
	v15 =	vsub.f32 v15, v33;
	v40 =	vld.idx.msk [tilespmem:v19+s2+$0x0], $0xffff  }
0x10e: {  	(erf) = vrcp.f32 v11;
	v41 =	vld.idx.msk [tilespmem:v36+s2+$0x0], $0xffff  }
0x10f: {  	v15 =	vmax.f32 v15, $9.999999930e-09;
	v42 =	vsub.f32 v37, v35;
	v43 =	vld.idx.msk [tilespmem:v21+s2+$0x0], $0xffff  }
0x110: {  	(erf) = vrcp.f32 v15;
	v44 =	vld.idx.msk [tilespmem:v39+s2+$0x0], $0xffff  }
0x111: {  	v18 =	vsub.f32 v18, v38;
	v20 =	vmax.f32 v42, $9.999999930e-09  }
0x112: {  	(erf) = vrcp.f32 v20  }
0x113: {  	v18 =	vmax.f32 v18, $9.999999930e-09;
	v11 =	vsub.f32 v41, v40  }
0x114: {  	(erf) = vrcp.f32 v18  }
0x115: {  	v11 =	vmax.f32 v11, $9.999999930e-09;
	v15 =	vsub.f32 v44, v43  }
0x116: {  	v3 =	vsub.f32 v3, v10;
	(erf) = vrcp.f32 v11  }
0x117: {  	v45 =	vpop (erf);
	v46 =	vmax.f32 v15, $9.999999930e-09  }
0x118: {  	v3 =	vmul.f32 v45, v3;
	v47 =	vsub.f32 v4, v33;
	(erf) = vrcp.f32 v46  }
0x119: {  	v48 =	vpop (erf)  }
0x11a: {  	v3 =	vmax.f32 v3, $0.0e+00;
	v49 =	vsub.f32 v5, v35;
	v4 =	vmul.f32 v48, v47  }
0x11b: {  	[tilespmem:s17+$0x6000] =	vst v9;
	v3 =	vmin.f32 v3, $1.000000000e+00;
	v51 =	vor.u32 v0, v12;
	v50 =	vpop (erf)  }
0x11c: {  	[tilespmem:s17+$0x6100] =	vst v3;
	v53 =	vsub.f32 v6, v38;
	v3 =	vmax.f32 v4, $0.0e+00;
	v52 =	vmul.f32 v50, v49  }
0x11d: {  	[tilespmem:s18+$0x6000] =	vst v51;
	v55 =	vor.u32 v0, v14;
	v3 =	vmin.f32 v3, $1.000000000e+00;
	v54 =	vpop (erf)  }
0x11e: {  	v57 =	vsub.f32 v7, v40;
	[tilespmem:s18+$0x6100] =	vst v3;
	v56 =	vmul.f32 v54, v53;
	v3 =	vmax.f32 v52, $0.0e+00  }
0x11f: {  	v59 =	vor.u32 v0, v17;
	[tilespmem:s19+$0x6000] =	vst v55;
	v58 =	vpop (erf);
	v3 =	vmin.f32 v3, $1.000000000e+00  }
0x120: {  	[tilespmem:s19+$0x6100] =	vst v3;
	v3 =	vmax.f32 v56, $0.0e+00;
	v60 =	vmul.f32 v58, v57;
	v61 =	vsub.f32 v8, v43  }
0x121: {  	[tilespmem:s20+$0x6000] =	vst v59;
	v3 =	vmin.f32 v3, $1.000000000e+00;
	v62 =	vpop (erf)  }
0x122: {  	[tilespmem:s20+$0x6100] =	vst v3;
	v3 =	vor.u32 v0, v19;
	v4 =	vmax.f32 v60, $0.0e+00;
	v5 =	vmul.f32 v62, v61  }
0x123: {  	[tilespmem:s21+$0x6000] =	vst v3;
	v3 =	vmin.f32 v4, $1.000000000e+00  }
0x124: {  	[tilespmem:s21+$0x6100] =	vst v3;
	v3 =	vor.u32 v0, v21;
	v63 =	vmax.f32 v5, $0.0e+00  }
0x125: {  	p0 =	por $0x1, $0x1;
	[tilespmem:s22+$0x6000] =	vst v3;
	v3 =	vmin.f32 v63, $1.000000000e+00  }
0x126: {  	p1 =	por $0x0, $0x0;
	s17 =	simm.s32 $0x2080;
	s19 =	simm.s32 $0x0;
	[tilespmem:s22+$0x6100] =	vst v3  }
0x127: {  	[tilespmem:s12], [sflag:$0x1] =	stream.indirect.gather [hbm4b:s3+s10], $0x80, s11, s10, $0xb8;
	[tilespmem:$0x16200] =	vst v63  }
.LBB2_4:
0x128: {  	p2 =	seq.s32 s19, $0x7F  }
.Ltmp1:
0x129: {  	_ = 	snop;
	(pc) =	sbr.rel @p2 .LBB2_8-.Ltmp1, $2  }
0x12a: {  	_ =	sdelay $0x2  }
0x12b: {  	s18 =	sadd.s32 $0x1, s19  }
0x12c: {  	v11 =	vmov s17;
	_ =	sdelay $0x3  }
0x12d: {  	s20 =	simm.s32 $0x0;
	v4 =	vld.idx.msk [tilespmem:v1+s2+$0x0], $0xffff  }
0x12e: {  	v3 =	vld.idx.msk [tilespmem:v11+s20+$0x0 ss:$0x1], $0xffff;
	_ =	sdelay $0x4  }
0x12f: {  	vm0 =	vle.f32 v4, v3  }
0x130: {  	v4 =	vsel vm0, $0x1000, v2  }
0x131: {  	v5 =	vor.u32 $0x800, v4;
	_ =	sdelay $0x4  }
0x132: {  	v6 =	vld.idx.msk [tilespmem:v5+s2+$0x0], $0xffff;
	_ =	sdelay $0x4  }
0x133: {  	vm15 =	vle.f32 v6, v3  }
0x134: {  	v4 =	vsel vm15, v5, v4  }
0x135: {  	v5 =	vor.u32 $0x400, v4;
	_ =	sdelay $0x4  }
0x136: {  	v6 =	vld.idx.msk [tilespmem:v5+s2+$0x0], $0xffff;
	_ =	sdelay $0x4  }
0x137: {  	vm4 =	vle.f32 v6, v3  }
0x138: {  	s21 =	simm.s32 $0x10;
	v6 =	vld.idx.msk [tilespmem:v1+s2+$0x0], $0xffff;
	v5 =	vsel vm4, v5, v4  }
0x139: {  	v4 =	vld.idx.msk [tilespmem:v11+s21+$0x0 ss:$0x1], $0xffff;
	v7 =	vor.u32 $0x200, v5;
	_ =	sdelay $0x4  }
0x13a: {  	vm5 =	vle.f32 v6, v4;
	v6 =	vld.idx.msk [tilespmem:v7+s2+$0x0], $0xffff  }
0x13b: {  	v8 =	vsel vm5, $0x1000, v2  }
0x13c: {  	v9 =	vor.u32 $0x800, v8;
	_ =	sdelay $0x2  }
0x13d: {  	vm6 =	vle.f32 v6, v3  }
0x13e: {  	v5 =	vsel vm6, v7, v5  }
0x13f: {  	v6 =	vld.idx.msk [tilespmem:v9+s2+$0x0], $0xffff;
	v7 =	vadd.s32 $0x100, v5;
	_ =	sdelay $0x4  }
0x140: {  	vm7 =	vle.f32 v6, v4;
	v6 =	vld.idx.msk [tilespmem:v7+s2+$0x0], $0xffff  }
0x141: {  	v8 =	vsel vm7, v9, v8  }
0x142: {  	v9 =	vor.u32 $0x400, v8;
	_ =	sdelay $0x2  }
0x143: {  	vm8 =	vle.f32 v6, v3  }
0x144: {  	v6 =	vsel vm8, v7, v5  }
0x145: {  	v7 =	vld.idx.msk [tilespmem:v9+s2+$0x0], $0xffff;
	v10 =	vadd.s32 $0x80, v6;
	_ =	sdelay $0x2  }
0x146: {  	s22 =	simm.s32 $0x20;
	v12 =	vld.idx.msk [tilespmem:v1+s2+$0x0], $0xffff  }
0x147: {  	v5 =	vld.idx.msk [tilespmem:v11+s22+$0x0 ss:$0x1], $0xffff  }
0x148: {  	vm9 =	vle.f32 v7, v4;
	v7 =	vld.idx.msk [tilespmem:v10+s2+$0x0], $0xffff  }
0x149: {  	v8 =	vsel vm9, v9, v8  }
0x14a: {  	v9 =	vor.u32 $0x200, v8;
	_ =	sdelay $0x1  }
0x14b: {  	vm10 =	vle.f32 v12, v5  }
0x14c: {  	v12 =	vsel vm10, $0x1000, v2;
	vm11 =	vle.f32 v7, v3  }
0x14d: {  	v7 =	vor.u32 $0x800, v12;
	v6 =	vsel vm11, v10, v6  }
0x14e: {  	v10 =	vld.idx.msk [tilespmem:v9+s2+$0x0], $0xffff;
	v13 =	vadd.s32 $0x40, v6;
	_ =	sdelay $0x3  }
0x14f: {  	v14 =	vld.idx.msk [tilespmem:v7+s2+$0x0], $0xffff  }
0x150: {  	vm12 =	vle.f32 v10, v4;
	v10 =	vld.idx.msk [tilespmem:v13+s2+$0x0], $0xffff  }
0x151: {  	v8 =	vsel vm12, v9, v8  }
0x152: {  	v9 =	vadd.s32 $0x100, v8;
	_ =	sdelay $0x1  }
0x153: {  	vm13 =	vle.f32 v14, v5  }
0x154: {  	v7 =	vsel vm13, v7, v12;
	vm14 =	vle.f32 v10, v3  }
0x155: {  	v10 =	vor.u32 $0x400, v7;
	v12 =	vsel vm14, v13, v6  }
0x156: {  	v6 =	vld.idx.msk [tilespmem:v9+s2+$0x0], $0xffff;
	v13 =	vadd.s32 $0x20, v12;
	_ =	sdelay $0x3  }
0x157: {  	v14 =	vld.idx.msk [tilespmem:v10+s2+$0x0], $0xffff  }
0x158: {  	vm15 =	vle.f32 v6, v4;
	v6 =	vld.idx.msk [tilespmem:v13+s2+$0x0], $0xffff  }
0x159: {  	v8 =	vsel vm15, v9, v8  }
0x15a: {  	v9 =	vadd.s32 $0x80, v8;
	_ =	sdelay $0x1  }
0x15b: {  	vm4 =	vle.f32 v14, v5  }
0x15c: {  	s23 =	simm.s32 $0x30;
	v14 =	vld.idx.msk [tilespmem:v1+s2+$0x0], $0xffff;
	v7 =	vsel vm4, v10, v7;
	vm5 =	vle.f32 v6, v3  }
0x15d: {  	v6 =	vld.idx.msk [tilespmem:v11+s23+$0x0 ss:$0x1], $0xffff;
	v10 =	vor.u32 $0x200, v7;
	v12 =	vsel vm5, v13, v12  }
0x15e: {  	v13 =	vld.idx.msk [tilespmem:v9+s2+$0x0], $0xffff;
	v15 =	vadd.s32 $0x10, v12;
	_ =	sdelay $0x3  }
0x15f: {  	vm6 =	vle.f32 v14, v6;
	v14 =	vld.idx.msk [tilespmem:v10+s2+$0x0], $0xffff  }
0x160: {  	v16 =	vsel vm6, $0x1000, v2;
	vm7 =	vle.f32 v13, v4;
	v13 =	vld.idx.msk [tilespmem:v15+s2+$0x0], $0xffff  }
0x161: {  	v17 =	vor.u32 $0x800, v16;
	v8 =	vsel vm7, v9, v8  }
0x162: {  	v9 =	vadd.s32 $0x40, v8;
	_ =	sdelay $0x1  }
0x163: {  	vm8 =	vle.f32 v14, v5  }
0x164: {  	v7 =	vsel vm8, v10, v7;
	vm9 =	vle.f32 v13, v3  }
0x165: {  	v10 =	vld.idx.msk [tilespmem:v17+s2+$0x0], $0xffff;
	v13 =	vadd.s32 $0x100, v7;
	v12 =	vsel vm9, v15, v12  }
0x166: {  	v14 =	vld.idx.msk [tilespmem:v9+s2+$0x0], $0xffff;
	v15 =	vadd.s32 $0x8, v12;
	_ =	sdelay $0x3  }
0x167: {  	vm10 =	vle.f32 v10, v6;
	v10 =	vld.idx.msk [tilespmem:v13+s2+$0x0], $0xffff  }
0x168: {  	v16 =	vsel vm10, v17, v16;
	vm11 =	vle.f32 v14, v4;
	v14 =	vld.idx.msk [tilespmem:v15+s2+$0x0], $0xffff  }
0x169: {  	v17 =	vor.u32 $0x400, v16;
	v8 =	vsel vm11, v9, v8  }
0x16a: {  	v9 =	vadd.s32 $0x20, v8;
	_ =	sdelay $0x1  }
0x16b: {  	vm12 =	vle.f32 v10, v5  }
0x16c: {  	v10 =	vsel vm12, v13, v7;
	vm13 =	vle.f32 v14, v3  }
0x16d: {  	v13 =	vld.idx.msk [tilespmem:v17+s2+$0x0], $0xffff;
	v14 =	vadd.s32 $0x80, v10;
	v12 =	vsel vm13, v15, v12  }
0x16e: {  	v15 =	vld.idx.msk [tilespmem:v9+s2+$0x0], $0xffff;
	v18 =	vadd.s32 $0x4, v12;
	_ =	sdelay $0x1  }
0x16f: {  	s24 =	simm.s32 $0x40;
	v19 =	vld.idx.msk [tilespmem:v1+s2+$0x0], $0xffff  }
0x170: {  	v7 =	vld.idx.msk [tilespmem:v11+s24+$0x0 ss:$0x1], $0xffff  }
0x171: {  	vm14 =	vle.f32 v13, v6;
	v13 =	vld.idx.msk [tilespmem:v14+s2+$0x0], $0xffff  }
0x172: {  	v16 =	vsel vm14, v17, v16;
	vm15 =	vle.f32 v15, v4;
	v15 =	vld.idx.msk [tilespmem:v18+s2+$0x0], $0xffff  }
0x173: {  	v17 =	vor.u32 $0x200, v16;
	v8 =	vsel vm15, v9, v8  }
0x174: {  	v9 =	vadd.s32 $0x10, v8  }
0x175: {  	vm4 =	vle.f32 v19, v7  }
0x176: {  	v19 =	vsel vm4, $0x1000, v2;
	vm5 =	vle.f32 v13, v5  }
0x177: {  	v13 =	vor.u32 $0x800, v19;
	v10 =	vsel vm5, v14, v10;
	vm6 =	vle.f32 v15, v3  }
0x178: {  	v14 =	vld.idx.msk [tilespmem:v17+s2+$0x0], $0xffff;
	v15 =	vadd.s32 $0x40, v10;
	v12 =	vsel vm6, v18, v12  }
0x179: {  	v18 =	vld.idx.msk [tilespmem:v9+s2+$0x0], $0xffff;
	v20 =	vadd.s32 $0x2, v12;
	_ =	sdelay $0x2  }
0x17a: {  	v21 =	vld.idx.msk [tilespmem:v13+s2+$0x0], $0xffff  }
0x17b: {  	vm7 =	vle.f32 v14, v6;
	v14 =	vld.idx.msk [tilespmem:v15+s2+$0x0], $0xffff  }
0x17c: {  	v16 =	vsel vm7, v17, v16;
	vm8 =	vle.f32 v18, v4;
	v17 =	vld.idx.msk [tilespmem:v20+s2+$0x0], $0xffff  }
0x17d: {  	v18 =	vadd.s32 $0x100, v16;
	v8 =	vsel vm8, v9, v8  }
0x17e: {  	v9 =	vadd.s32 $0x8, v8  }
0x17f: {  	vm9 =	vle.f32 v21, v7  }
0x180: {  	v21 =	vsel vm9, v13, v19;
	vm10 =	vle.f32 v14, v5  }
0x181: {  	v22 =	vor.u32 $0x400, v21;
	v15 =	vsel vm10, v15, v10;
	vm11 =	vle.f32 v17, v3  }
0x182: {  	v10 =	vld.idx.msk [tilespmem:v18+s2+$0x0], $0xffff;
	v24 =	vadd.s32 $0x20, v15;
	v12 =	vsel vm11, v20, v12  }
0x183: {  	v13 =	vld.idx.msk [tilespmem:v9+s2+$0x0], $0xffff;
	v25 =	vadd.s32 $0x1, v12;
	_ =	sdelay $0x2  }
0x184: {  	v20 =	vld.idx.msk [tilespmem:v22+s2+$0x0], $0xffff  }
0x185: {  	vm12 =	vle.f32 v10, v6;
	v10 =	vld.idx.msk [tilespmem:v24+s2+$0x0], $0xffff  }
0x186: {  	v17 =	vsel vm12, v18, v16;
	vm13 =	vle.f32 v13, v4;
	v16 =	vld.idx.msk [tilespmem:v25+s2+$0x0], $0xffff  }
0x187: {  	v19 =	vadd.s32 $0x80, v17;
	v13 =	vsel vm13, v9, v8  }
0x188: {  	s25 =	simm.s32 $0x1;
	v14 =	vadd.s32 $0x4, v13  }
0x189: {  	s25 =	simm.s32 @!p0 $0x0;
	vm14 =	vle.f32 v20, v7  }
0x18a: {  	v23 =	vld.idx.msk [tilespmem:v1+s2+$0x0], $0xffff;
	s26 =	sshll.u32 s25, $0x7;
	s25 =	simm.s32 $0x50;
	v20 =	vsel vm14, v22, v21;
	vm1 =	vle.f32 v10, v5  }
0x18b: {  	s28 =	sor.u32 $0x6100, s26;
	s29 =	sor.u32 $0x6000, s26;
	s26 =	sand.u32 $0x1, s18;
	v10 =	vld.idx.msk [tilespmem:v11+s25+$0x0 ss:$0x1], $0xffff;
	v21 =	vor.u32 $0x200, v20;
	v15 =	vsel vm1, v24, v15;
	vm15 =	vle.f32 v16, v3  }
0x18c: {  	v8 =	vmov s29;
	s29 =	sshll.u32 s26, $0x7;
	v22 =	vld.idx.msk [tilespmem:v19+s2+$0x0], $0xffff;
	v18 =	vadd.s32 $0x10, v15;
	v12 =	vsel vm15, v25, v12  }
0x18d: {  	v9 =	vmov s28;
	s28 =	sor.u32 $0x6000, s29;
	s29 =	simm.s32 $0x180;
	v16 =	vld.idx.msk [tilespmem:v14+s2+$0x0], $0xffff;
	v12 =	vmin.u32 v12, $0x1FFE  }
.LBB2_6:
0x18e: {  	p2 =	sne.s32 s29, $0x1C0;
	v24 =	vadd.s32 $0x1, v12;
	_ =	sdelay $0x1  }
0x18f: {  	vm0 =	vle.f32 v23, v10;
	v23 =	vld.idx.msk [tilespmem:v21+s2+$0x0], $0xffff  }
0x190: {  	v25 =	vsel vm0, $0x1000, v2;
	vm0 =	vle.f32 v22, v6;
	v22 =	vld.idx.msk [tilespmem:v18+s2+$0x0], $0xffff  }
0x191: {  	v26 =	vor.u32 $0x800, v25;
	v17 =	vsel vm0, v19, v17;
	vm0 =	vle.f32 v16, v4;
	v16 =	vld.idx.msk [tilespmem:v12+s2+$0x0], $0xffff  }
0x192: {  	v19 =	vadd.s32 $0x40, v17;
	v13 =	vsel vm0, v14, v13;
	v14 =	vld.idx.msk [tilespmem:v24+s2+$0x0], $0xffff  }
0x193: {  	v24 =	vadd.s32 $0x2, v13;
	_ =	sdelay $0x2  }
0x194: {  	v27 =	vld.idx.msk [tilespmem:v26+s2+$0x0], $0xffff  }
0x195: {  	vm0 =	vle.f32 v23, v7;
	v23 =	vld.idx.msk [tilespmem:v19+s2+$0x0], $0xffff  }
0x196: {  	v20 =	vsel vm0, v21, v20;
	vm0 =	vle.f32 v22, v5;
	v14 =	vsub.f32 v14, v16;
	v21 =	vld.idx.msk [tilespmem:v24+s2+$0x0], $0xffff  }
0x197: {  	v22 =	vadd.s32 $0x100, v20;
	v15 =	vsel vm0, v18, v15  }
0x198: {  	v18 =	vadd.s32 $0x8, v15;
	v14 =	vmax.f32 v14, $9.999999930e-09  }
0x199: {  	(erf) = vrcp.f32 v14  }
0x19a: {  	vm0 =	vle.f32 v27, v10  }
0x19b: {  	v25 =	vsel vm0, v26, v25;
	vm0 =	vle.f32 v23, v6  }
0x19c: {  	v26 =	vor.u32 $0x400, v25;
	v27 =	vsel vm0, v19, v17;
	vm0 =	vle.f32 v21, v4;
	v14 =	vld.idx.msk [tilespmem:v22+s2+$0x0], $0xffff  }
0x19d: {  	v28 =	vadd.s32 $0x20, v27;
	v24 =	vsel vm0, v24, v13;
	v19 =	vld.idx.msk [tilespmem:v18+s2+$0x0], $0xffff  }
0x19e: {  	v29 =	vadd.s32 $0x1, v24;
	_ =	sdelay $0x2  }
0x19f: {  	v13 =	vsub.f32 v3, v16;
	v3 =	vmovc v4;
	v4 =	vmovc v5;
	v5 =	vmov v6;
	v6 =	vmov v7;
	v21 =	vld.idx.msk [tilespmem:v26+s2+$0x0], $0xffff  }
0x1a0: {  	v7 =	vmov v10;
	vm0 =	vle.f32 v14, v6;
	v16 =	vld.idx.msk [tilespmem:v28+s2+$0x0], $0xffff;
	v14 =	vpop (erf)  }
0x1a1: {  	v17 =	vsel vm0, v22, v20;
	vm0 =	vle.f32 v19, v4;
	v30 =	vld.idx.msk [tilespmem:v29+s2+$0x0], $0xffff;
	v10 =	vmul.f32 v14, v13  }
0x1a2: {  	v19 =	vadd.s32 $0x80, v17;
	v13 =	vsel vm0, v18, v15  }
0x1a3: {  	v12 =	vor.u32 v0, v12;
	v14 =	vadd.s32 $0x4, v13;
	v10 =	vmax.f32 v10, $0.0e+00  }
0x1a4: {  	v10 =	vmin.f32 v10, $1.000000000e+00;
	[tilespmem:v8+s20+$0x0 ss:$0x1] =	vst.idx.msk $0xffff, v12  }
.Ltmp2:
0x1a5: {  	s30 =	sshra.s32 s29, $0x2;
	vm0 =	vle.f32 v21, v7;
	v23 =	vld.idx.msk [tilespmem:v1+s2+$0x0], $0xffff;
	[tilespmem:v9+s20+$0x0 ss:$0x1] =	vst.idx.msk $0xffff, v10;
	s20 =	smov.u32 s21;
	(pc) =	sbr.rel @p2 .LBB2_6-.Ltmp2, $4  }
0x1a6: {  	v20 =	vsel vm0, v26, v25;
	vm0 =	vle.f32 v16, v5;
	s21 =	smov.u32 s22;
	s22 =	smov.u32 s23;
	s23 =	smov.u32 s24;
	v10 =	vld.idx.msk [tilespmem:v11+s30+$0x0 ss:$0x1], $0xffff  }
0x1a7: {  	s24 =	smov.u32 s25;
	s25 =	smov.u32 s30;
	v21 =	vor.u32 $0x200, v20;
	v15 =	vsel vm0, v28, v27;
	vm0 =	vle.f32 v30, v3;
	v22 =	vld.idx.msk [tilespmem:v19+s2+$0x0], $0xffff  }
0x1a8: {  	v18 =	vadd.s32 $0x10, v15;
	v12 =	vsel vm0, v29, v24;
	v16 =	vld.idx.msk [tilespmem:v14+s2+$0x0], $0xffff  }
0x1a9: {  	s29 =	sadd.s32 $0x40, s29;
	v12 =	vmin.u32 v12, $0x1FFE  }
0x1aa: {  	_ = 	snop  }
0x1ab: {  	vm0 =	vle.f32 v23, v10  }
0x1ac: {  	v11 =	vsel vm0, $0x1000, v2  }
0x1ad: {  	v59 =	vor.u32 $0x800, v11;
	_ =	sdelay $0x4  }
0x1ae: {  	v24 =	vld.idx.msk [tilespmem:v59+s2+$0x0], $0xffff;
	_ =	sdelay $0x4  }
0x1af: {  	vm14 =	vle.f32 v24, v10  }
0x1b0: {  	v11 =	vsel vm14, v59, v11  }
0x1b1: {  	v23 =	vor.u32 $0x400, v11;
	_ =	sdelay $0x4  }
0x1b2: {  	v60 =	vld.idx.msk [tilespmem:v23+s2+$0x0], $0xffff;
	_ =	sdelay $0x4  }
0x1b3: {  	vm15 =	vle.f32 v60, v10  }
0x1b4: {  	v11 =	vsel vm15, v23, v11  }
0x1b5: {  	v23 =	vor.u32 $0x200, v11;
	_ =	sdelay $0x2  }
0x1b6: {  	v61 =	vld.idx.msk [tilespmem:v21+s2+$0x0], $0xffff;
	_ =	sdelay $0x1  }
0x1b7: {  	v25 =	vld.idx.msk [tilespmem:v23+s2+$0x0], $0xffff;
	_ =	sdelay $0x2  }
0x1b8: {  	vm4 =	vle.f32 v61, v7  }
0x1b9: {  	v20 =	vsel vm4, v21, v20  }
0x1ba: {  	v21 =	vadd.s32 $0x100, v20;
	vm5 =	vle.f32 v25, v10  }
0x1bb: {  	v11 =	vsel vm5, v23, v11  }
0x1bc: {  	v23 =	vadd.s32 $0x100, v11;
	_ =	sdelay $0x2  }
0x1bd: {  	v62 =	vld.idx.msk [tilespmem:v21+s2+$0x0], $0xffff;
	_ =	sdelay $0x1  }
0x1be: {  	v63 =	vld.idx.msk [tilespmem:v23+s2+$0x0], $0xffff;
	_ =	sdelay $0x2  }
0x1bf: {  	vm6 =	vle.f32 v62, v7  }
0x1c0: {  	v20 =	vsel vm6, v21, v20  }
0x1c1: {  	v21 =	vadd.s32 $0x80, v20;
	vm7 =	vle.f32 v63, v10  }
0x1c2: {  	v11 =	vsel vm7, v23, v11  }
0x1c3: {  	v23 =	vadd.s32 $0x80, v11;
	_ =	sdelay $0x2  }
0x1c4: {  	v28 =	vld.idx.msk [tilespmem:v21+s2+$0x0], $0xffff;
	_ =	sdelay $0x1  }
0x1c5: {  	v29 =	vld.idx.msk [tilespmem:v23+s2+$0x0], $0xffff  }
0x1c6: {  	vm8 =	vle.f32 v22, v6  }
0x1c7: {  	v17 =	vsel vm8, v19, v17  }
0x1c8: {  	v19 =	vadd.s32 $0x40, v17;
	vm9 =	vle.f32 v28, v7  }
0x1c9: {  	v20 =	vsel vm9, v21, v20  }
0x1ca: {  	v21 =	vadd.s32 $0x40, v20;
	vm10 =	vle.f32 v29, v10  }
0x1cb: {  	v11 =	vsel vm10, v23, v11  }
0x1cc: {  	v23 =	vadd.s32 $0x40, v11  }
0x1cd: {  	v30 =	vld.idx.msk [tilespmem:v19+s2+$0x0], $0xffff;
	_ =	sdelay $0x1  }
0x1ce: {  	v31 =	vld.idx.msk [tilespmem:v21+s2+$0x0], $0xffff;
	_ =	sdelay $0x1  }
0x1cf: {  	v32 =	vld.idx.msk [tilespmem:v23+s2+$0x0], $0xffff  }
0x1d0: {  	vm11 =	vle.f32 v30, v6  }
0x1d1: {  	v17 =	vsel vm11, v19, v17  }
0x1d2: {  	v19 =	vadd.s32 $0x20, v17;
	vm12 =	vle.f32 v31, v7  }
0x1d3: {  	v20 =	vsel vm12, v21, v20  }
0x1d4: {  	v21 =	vadd.s32 $0x20, v20;
	vm13 =	vle.f32 v32, v10  }
0x1d5: {  	v11 =	vsel vm13, v23, v11  }
0x1d6: {  	v23 =	vadd.s32 $0x20, v11  }
0x1d7: {  	v33 =	vld.idx.msk [tilespmem:v19+s2+$0x0], $0xffff;
	_ =	sdelay $0x1  }
0x1d8: {  	v34 =	vld.idx.msk [tilespmem:v21+s2+$0x0], $0xffff;
	_ =	sdelay $0x1  }
0x1d9: {  	v35 =	vld.idx.msk [tilespmem:v23+s2+$0x0], $0xffff  }
0x1da: {  	vm14 =	vle.f32 v33, v6  }
0x1db: {  	v17 =	vsel vm14, v19, v17  }
0x1dc: {  	v19 =	vadd.s32 $0x10, v17;
	vm15 =	vle.f32 v34, v7  }
0x1dd: {  	v20 =	vsel vm15, v21, v20  }
0x1de: {  	v37 =	vadd.s32 $0x10, v20;
	vm4 =	vle.f32 v35, v10  }
0x1df: {  	v36 =	vld.idx.msk [tilespmem:v18+s2+$0x0], $0xffff;
	v11 =	vsel vm4, v23, v11  }
0x1e0: {  	v23 =	vadd.s32 $0x10, v11  }
0x1e1: {  	v38 =	vld.idx.msk [tilespmem:v19+s2+$0x0], $0xffff;
	_ =	sdelay $0x1  }
0x1e2: {  	v39 =	vld.idx.msk [tilespmem:v37+s2+$0x0], $0xffff  }
0x1e3: {  	vm5 =	vle.f32 v36, v5  }
0x1e4: {  	v15 =	vsel vm5, v18, v15;
	v40 =	vld.idx.msk [tilespmem:v23+s2+$0x0], $0xffff  }
0x1e5: {  	vm6 =	vle.f32 v38, v6;
	v18 =	vadd.s32 $0x8, v15  }
0x1e6: {  	v17 =	vsel vm6, v19, v17  }
0x1e7: {  	v19 =	vadd.s32 $0x8, v17;
	vm7 =	vle.f32 v39, v7  }
0x1e8: {  	v20 =	vsel vm7, v37, v20  }
0x1e9: {  	v24 =	vadd.s32 $0x8, v20;
	vm8 =	vle.f32 v40, v10  }
0x1ea: {  	v41 =	vld.idx.msk [tilespmem:v18+s2+$0x0], $0xffff;
	v11 =	vsel vm8, v23, v11  }
0x1eb: {  	v23 =	vadd.s32 $0x8, v11  }
0x1ec: {  	v42 =	vld.idx.msk [tilespmem:v19+s2+$0x0], $0xffff;
	_ =	sdelay $0x1  }
0x1ed: {  	v43 =	vld.idx.msk [tilespmem:v24+s2+$0x0], $0xffff  }
0x1ee: {  	vm9 =	vle.f32 v41, v5  }
0x1ef: {  	v15 =	vsel vm9, v18, v15;
	v44 =	vld.idx.msk [tilespmem:v23+s2+$0x0], $0xffff  }
0x1f0: {  	v18 =	vadd.s32 $0x4, v15;
	vm10 =	vle.f32 v42, v6  }
0x1f1: {  	v17 =	vsel vm10, v19, v17  }
0x1f2: {  	v19 =	vadd.s32 $0x4, v17;
	vm11 =	vle.f32 v43, v7  }
0x1f3: {  	v20 =	vsel vm11, v24, v20  }
0x1f4: {  	v24 =	vadd.s32 $0x4, v20;
	vm12 =	vle.f32 v44, v10  }
0x1f5: {  	v45 =	vld.idx.msk [tilespmem:v18+s2+$0x0], $0xffff;
	v11 =	vsel vm12, v23, v11  }
0x1f6: {  	v47 =	vadd.s32 $0x4, v11  }
0x1f7: {  	v46 =	vld.idx.msk [tilespmem:v19+s2+$0x0], $0xffff;
	vm13 =	vle.f32 v16, v4  }
0x1f8: {  	v13 =	vsel vm13, v14, v13  }
0x1f9: {  	v14 =	vadd.s32 $0x2, v13;
	v48 =	vld.idx.msk [tilespmem:v24+s2+$0x0], $0xffff  }
0x1fa: {  	vm14 =	vle.f32 v45, v5  }
0x1fb: {  	v15 =	vsel vm14, v18, v15;
	v49 =	vld.idx.msk [tilespmem:v47+s2+$0x0], $0xffff  }
0x1fc: {  	v18 =	vadd.s32 $0x2, v15;
	vm15 =	vle.f32 v46, v6  }
0x1fd: {  	v17 =	vsel vm15, v19, v17  }
0x1fe: {  	v51 =	vadd.s32 $0x2, v17;
	v50 =	vld.idx.msk [tilespmem:v14+s2+$0x0], $0xffff;
	vm4 =	vle.f32 v48, v7  }
0x1ff: {  	v20 =	vsel vm4, v24, v20  }
0x200: {  	v24 =	vadd.s32 $0x2, v20;
	vm5 =	vle.f32 v49, v10  }
0x201: {  	v52 =	vld.idx.msk [tilespmem:v18+s2+$0x0], $0xffff;
	v11 =	vsel vm5, v47, v11  }
0x202: {  	v54 =	vadd.s32 $0x2, v11  }
0x203: {  	v53 =	vld.idx.msk [tilespmem:v51+s2+$0x0], $0xffff;
	vm6 =	vle.f32 v50, v4  }
0x204: {  	v13 =	vsel vm6, v14, v13  }
0x205: {  	v14 =	vadd.s32 $0x1, v13;
	v55 =	vld.idx.msk [tilespmem:v24+s2+$0x0], $0xffff  }
0x206: {  	vm7 =	vle.f32 v52, v5  }
0x207: {  	v15 =	vsel vm7, v18, v15;
	v56 =	vld.idx.msk [tilespmem:v54+s2+$0x0], $0xffff  }
0x208: {  	v18 =	vadd.s32 $0x1, v15;
	vm8 =	vle.f32 v53, v6  }
0x209: {  	v17 =	vsel vm8, v51, v17  }
0x20a: {  	v57 =	vld.idx.msk [tilespmem:v14+s2+$0x0], $0xffff;
	vm9 =	vle.f32 v55, v7;
	v23 =	vadd.s32 $0x1, v17  }
0x20b: {  	v20 =	vsel vm9, v24, v20  }
0x20c: {  	v24 =	vadd.s32 $0x1, v20;
	vm10 =	vle.f32 v56, v10  }
0x20d: {  	v58 =	vld.idx.msk [tilespmem:v18+s2+$0x0], $0xffff;
	v11 =	vsel vm10, v54, v11  }
0x20e: {  	v61 =	vadd.s32 $0x1, v11  }
0x20f: {  	vm11 =	vle.f32 v57, v4;
	v60 =	vld.idx.msk [tilespmem:v23+s2+$0x0], $0xffff  }
0x210: {  	v59 =	vadd.s32 $0x1, v12;
	v13 =	vsel vm11, v14, v13  }
0x211: {  	v13 =	vmin.u32 v13, $0x1FFE;
	v28 =	vld.idx.msk [tilespmem:v24+s2+$0x0], $0xffff  }
0x212: {  	v63 =	vadd.s32 $0x1, v13;
	vm12 =	vle.f32 v58, v5  }
0x213: {  	v15 =	vsel vm12, v18, v15;
	v29 =	vld.idx.msk [tilespmem:v61+s2+$0x0], $0xffff  }
0x214: {  	v62 =	vld.idx.msk [tilespmem:v12+s2+$0x0], $0xffff;
	v15 =	vmin.u32 v15, $0x1FFE;
	vm13 =	vle.f32 v60, v6  }
0x215: {  	v16 =	vld.idx.msk [tilespmem:v59+s2+$0x0], $0xffff;
	v30 =	vadd.s32 $0x1, v15;
	v17 =	vsel vm13, v23, v17  }
0x216: {  	v31 =	vld.idx.msk [tilespmem:v13+s2+$0x0], $0xffff;
	vm14 =	vle.f32 v28, v7;
	v17 =	vmin.u32 v17, $0x1FFE  }
0x217: {  	v25 =	vld.idx.msk [tilespmem:v63+s2+$0x0], $0xffff;
	v20 =	vsel vm14, v24, v20;
	v26 =	vadd.s32 $0x1, v17  }
0x218: {  	v20 =	vmin.u32 v20, $0x1FFE;
	vm15 =	vle.f32 v29, v10  }
0x219: {  	v34 =	vadd.s32 $0x1, v20;
	v32 =	vld.idx.msk [tilespmem:v15+s2+$0x0], $0xffff;
	v11 =	vsel vm15, v61, v11  }
0x21a: {  	v16 =	vsub.f32 v16, v62;
	v33 =	vld.idx.msk [tilespmem:v30+s2+$0x0], $0xffff;
	v11 =	vmin.u32 v11, $0x1FFE  }
0x21b: {  	v35 =	vld.idx.msk [tilespmem:v17+s2+$0x0], $0xffff;
	v38 =	vadd.s32 $0x1, v11  }
0x21c: {  	v16 =	vmax.f32 v16, $9.999999930e-09;
	v36 =	vsub.f32 v25, v31;
	v37 =	vld.idx.msk [tilespmem:v26+s2+$0x0], $0xffff  }
0x21d: {  	(erf) = vrcp.f32 v16;
	v39 =	vld.idx.msk [tilespmem:v20+s2+$0x0], $0xffff  }
0x21e: {  	v16 =	vmax.f32 v36, $9.999999930e-09;
	v41 =	vld.idx.msk [tilespmem:v34+s2+$0x0], $0xffff  }
0x21f: {  	(erf) = vrcp.f32 v16;
	v40 =	vsub.f32 v33, v32;
	v42 =	vld.idx.msk [tilespmem:v11+s2+$0x0], $0xffff  }
0x220: {  	v25 =	vld.idx.msk [tilespmem:v38+s2+$0x0], $0xffff  }
0x221: {  	v16 =	vmax.f32 v40, $9.999999930e-09;
	v24 =	vsub.f32 v37, v35  }
0x222: {  	(erf) = vrcp.f32 v16  }
0x223: {  	v44 =	vsub.f32 v41, v39;
	v43 =	vmax.f32 v24, $9.999999930e-09  }
0x224: {  	(erf) = vrcp.f32 v43  }
0x225: {  	v3 =	vsub.f32 v3, v62;
	v14 =	vmax.f32 v44, $9.999999930e-09;
	v46 =	vsub.f32 v25, v42  }
0x226: {  	v45 =	vpop (erf);
	(erf) = vrcp.f32 v14  }
0x227: {  	v3 =	vmul.f32 v45, v3;
	v16 =	vmax.f32 v46, $9.999999930e-09  }
0x228: {  	v47 =	vsub.f32 v4, v31;
	v48 =	vpop (erf);
	(erf) = vrcp.f32 v16  }
0x229: {  	v3 =	vmax.f32 v3, $0.0e+00  }
0x22a: {  	v49 =	vor.u32 v0, v12;
	v50 =	vsub.f32 v5, v32;
	v4 =	vmul.f32 v48, v47  }
0x22b: {  	v3 =	vmin.f32 v3, $1.000000000e+00;
	v52 =	vor.u32 v0, v13;
	[tilespmem:v8+s20+$0x0 ss:$0x1] =	vst.idx.msk $0xffff, v49;
	v51 =	vpop (erf)  }
0x22c: {  	[tilespmem:v9+s20+$0x0 ss:$0x1] =	vst.idx.msk $0xffff, v3;
	v3 =	vmax.f32 v4, $0.0e+00;
	v53 =	vsub.f32 v6, v35;
	v5 =	vmul.f32 v51, v50  }
0x22d: {  	[tilespmem:v8+s21+$0x0 ss:$0x1] =	vst.idx.msk $0xffff, v52;
	v55 =	vor.u32 v0, v15;
	v3 =	vmin.f32 v3, $1.000000000e+00;
	v54 =	vpop (erf)  }
0x22e: {  	v57 =	vsub.f32 v7, v39;
	[tilespmem:v9+s21+$0x0 ss:$0x1] =	vst.idx.msk $0xffff, v3;
	v3 =	vmax.f32 v5, $0.0e+00;
	v56 =	vmul.f32 v54, v53  }
0x22f: {  	[tilespmem:v8+s22+$0x0 ss:$0x1] =	vst.idx.msk $0xffff, v55;
	v59 =	vor.u32 v0, v17;
	v3 =	vmin.f32 v3, $1.000000000e+00;
	v58 =	vpop (erf)  }
0x230: {  	[tilespmem:v9+s22+$0x0 ss:$0x1] =	vst.idx.msk $0xffff, v3;
	v4 =	vmul.f32 v58, v57;
	v3 =	vmax.f32 v56, $0.0e+00;
	v60 =	vsub.f32 v10, v42  }
0x231: {  	[tilespmem:v8+s23+$0x0 ss:$0x1] =	vst.idx.msk $0xffff, v59;
	v3 =	vmin.f32 v3, $1.000000000e+00;
	v61 =	vpop (erf)  }
0x232: {  	v62 =	vor.u32 v0, v20;
	[tilespmem:v9+s23+$0x0 ss:$0x1] =	vst.idx.msk $0xffff, v3;
	v3 =	vmax.f32 v4, $0.0e+00;
	v5 =	vmul.f32 v61, v60  }
0x233: {  	[tilespmem:v8+s24+$0x0 ss:$0x1] =	vst.idx.msk $0xffff, v62;
	v3 =	vmin.f32 v3, $1.000000000e+00  }
0x234: {  	v63 =	vor.u32 v0, v11;
	[tilespmem:v9+s24+$0x0 ss:$0x1] =	vst.idx.msk $0xffff, v3;
	v3 =	vmax.f32 v5, $0.0e+00  }
0x235: {  	s31 =	sshll.u32 s26, $0xE;
	[tilespmem:v8+s25+$0x0 ss:$0x1] =	vst.idx.msk $0xffff, v63;
	v3 =	vmin.f32 v3, $1.000000000e+00  }
0x236: {  	s20 =	sadd.s32 $0x6200, s31;
	[tilespmem:v9+s25+$0x0 ss:$0x1] =	vst.idx.msk $0xffff, v3  }
0x237: {  	[tilespmem:s20], [sflag:$0x1] =	stream.indirect.gather [hbm4b:s3+s10], $0x80, s28, s10, $0xb8;
	[tilespmem:$0x16200] =	vst v63  }
.LBB2_8:
0x238: {  	s20 =	simm.s32 $0x1  }
0x239: {  	s20 =	simm.s32 @!p1 $0x0  }
0x23a: {  	_ =	swait.ge [sflag:s13], $0x4000;
	s21 =	sshll.u32 s20, $0x7;
	s22 =	sshll.u32 s20, $0xE  }
0x23b: {  	p2 =	slt.u32 s19, $0x2;
	[sflag:s13] =	ssyncset.done $0x0;
	s20 =	sadd.s32 $0x6270, s22;
	v3 =	vmov s21  }
0x23c: {  	s23 =	simm.s32 @!p2 $0x2;
	[sflag:s13] =	ssyncadd.s32 $0xFFFFC000;
	v4 =	vmov s20  }
0x23d: {  	_ =	swait.ge @!p2 [sflag:s23], $0x4000  }
0x23e: {  	[sflag:s23] =	ssyncset.done @!p2 $0x0  }
0x23f: {  	[sflag:s23] =	ssyncadd.s32 @!p2 $0xFFFFC000  }
0x240: {  	s20 =	simm.s32 $0x0;
	v7 =	vld.idx.msk [tilespmem:v3+s14+$0x0], $0xffff  }
0x241: {  	v5 =	vld.idx.msk [tilespmem:v4+s20+$0xFFFFFF90 ss:$0x1], $0xffff  }
0x242: {  	s30 =	sadd.s32 $0x1, s21;
	v8 =	vld.idx.msk [tilespmem:v4+s20+$0xFFFFFFD0 ss:$0x1], $0xffff  }
0x243: {  	v9 =	vmov s30;
	_ =	sdelay $0x1  }
0x244: {  	s31 =	sadd.s32 $0xE220, s22;
	v6 =	vsub.f32 $1.000000000e+00, v7  }
0x245: {  	v3 =	vmov s31  }
0x246: {  	v8 =	vmul.f32 v8, v7;
	v10 =	vmul.f32 v5, v6  }
0x247: {  	s21 =	simm.s32 $0x80;
	v5 =	vld.idx.msk [tilespmem:v9+s14+$0x0], $0xffff  }
0x248: {  	v9 =	vld.idx.msk [tilespmem:v4+s21+$0xFFFFFF90 ss:$0x1], $0xffff;
	v8 =	vadd.f32 v8, v10  }
0x249: {  	s23 =	sadd.s32 $0x1, s30;
	v10 =	vld.idx.msk [tilespmem:v4+s21+$0xFFFFFFD0 ss:$0x1], $0xffff  }
0x24a: {  	v11 =	vmov s23;
	[tilespmem:v3+s20+$0xFFFFFFE0 ss:$0x1] =	vst.idx.msk $0xffff, v8  }
0x24b: {  	v12 =	vld.idx.msk [tilespmem:v4+s20+$0xFFFFFFA0 ss:$0x1], $0xffff  }
0x24c: {  	v8 =	vsub.f32 $1.000000000e+00, v5;
	v13 =	vld.idx.msk [tilespmem:v4+s20+$0xFFFFFFE0 ss:$0x1], $0xffff;
	_ =	sdelay $0x1  }
0x24d: {  	v14 =	vmul.f32 v9, v8;
	v10 =	vmul.f32 v10, v5  }
0x24e: {  	s22 =	simm.s32 $0x100;
	v9 =	vld.idx.msk [tilespmem:v11+s14+$0x0], $0xffff  }
0x24f: {  	v15 =	vld.idx.msk [tilespmem:v4+s22+$0xFFFFFF90 ss:$0x1], $0xffff;
	v10 =	vadd.f32 v10, v14  }
0x250: {  	s24 =	sadd.s32 $0x1, s23;
	s23 =	simm.s32 $0x180;
	v14 =	vld.idx.msk [tilespmem:v4+s22+$0xFFFFFFD0 ss:$0x1], $0xffff;
	v11 =	vmul.f32 v12, v6;
	v12 =	vmul.f32 v13, v7  }
0x251: {  	v17 =	vld.idx.msk [tilespmem:v4+s23+$0xFFFFFF90 ss:$0x1], $0xffff;
	[tilespmem:v3+s21+$0xFFFFFFE0 ss:$0x1] =	vst.idx.msk $0xffff, v10  }
0x252: {  	v10 =	vmov s24;
	v13 =	vld.idx.msk [tilespmem:v4+s21+$0xFFFFFFA0 ss:$0x1], $0xffff;
	v12 =	vadd.f32 v12, v11  }
0x253: {  	v11 =	vsub.f32 $1.000000000e+00, v9;
	v16 =	vld.idx.msk [tilespmem:v4+s21+$0xFFFFFFE0 ss:$0x1], $0xffff  }
0x254: {  	v19 =	vld.idx.msk [tilespmem:v4+s23+$0xFFFFFFD0 ss:$0x1], $0xffff;
	[tilespmem:v3+s20+$0xFFFFFFF0 ss:$0x1] =	vst.idx.msk $0xffff, v12  }
0x255: {  	v12 =	vmul.f32 v15, v11;
	v14 =	vmul.f32 v14, v9;
	v15 =	vld.idx.msk [tilespmem:v4+s20+$0xFFFFFFB0 ss:$0x1], $0xffff  }
0x256: {  	s25 =	sadd.s32 $0x1, s24;
	v18 =	vld.idx.msk [tilespmem:v4+s20+$0xFFFFFFF0 ss:$0x1], $0xffff  }
0x257: {  	s24 =	simm.s32 $0x200;
	v10 =	vld.idx.msk [tilespmem:v10+s14+$0x0], $0xffff;
	v12 =	vadd.f32 v14, v12;
	v14 =	vmov s25  }
0x258: {  	v22 =	vld.idx.msk [tilespmem:v4+s24+$0xFFFFFF90 ss:$0x1], $0xffff;
	v13 =	vmul.f32 v13, v8;
	v16 =	vmul.f32 v16, v5  }
0x259: {  	v24 =	vld.idx.msk [tilespmem:v4+s24+$0xFFFFFFD0 ss:$0x1], $0xffff;
	[tilespmem:v3+s22+$0xFFFFFFE0 ss:$0x1] =	vst.idx.msk $0xffff, v12  }
0x25a: {  	v16 =	vadd.f32 v16, v13;
	v21 =	vld.idx.msk [tilespmem:v4+s22+$0xFFFFFFE0 ss:$0x1], $0xffff  }
0x25b: {  	v20 =	vld.idx.msk [tilespmem:v4+s22+$0xFFFFFFA0 ss:$0x1], $0xffff;
	v15 =	vmul.f32 v15, v6;
	v18 =	vmul.f32 v18, v7  }
0x25c: {  	s28 =	sadd.s32 $0x1, s25;
	v13 =	vsub.f32 $1.000000000e+00, v10;
	v12 =	vld.idx.msk [tilespmem:v14+s14+$0x0], $0xffff;
	[tilespmem:v3+s21+$0xFFFFFFF0 ss:$0x1] =	vst.idx.msk $0xffff, v16  }
0x25d: {  	v23 =	vmov s28;
	v14 =	vld.idx.msk [tilespmem:v4+s21+$0xFFFFFFB0 ss:$0x1], $0xffff;
	v15 =	vadd.f32 v18, v15  }
0x25e: {  	s25 =	simm.s32 $0x280;
	v18 =	vld.idx.msk [tilespmem:v4+s21+$0xFFFFFFF0 ss:$0x1], $0xffff;
	v16 =	vmul.f32 v17, v13;
	v17 =	vmul.f32 v19, v10  }
0x25f: {  	[tilespmem:v3+s20+$0x0 ss:$0x1] =	vst.idx.msk $0xffff, v15;
	v25 =	vmul.f32 v21, v9;
	v21 =	vld.idx.msk [tilespmem:v4+s25+$0xFFFFFF90 ss:$0x1], $0xffff  }
0x260: {  	v20 =	vmul.f32 v20, v11;
	v16 =	vadd.f32 v17, v16;
	v15 =	vld.idx.msk [tilespmem:v4+s20+$0xFFFFFFC0 ss:$0x1], $0xffff  }
0x261: {  	v17 =	vld.idx.msk [tilespmem:v4+s20+$0x0 ss:$0x1], $0xffff  }
0x262: {  	v25 =	vadd.f32 v25, v20;
	[tilespmem:v3+s23+$0xFFFFFFE0 ss:$0x1] =	vst.idx.msk $0xffff, v16;
	v26 =	vmul.f32 v14, v8;
	v14 =	vld.idx.msk [tilespmem:v23+s14+$0x0], $0xffff  }
0x263: {  	v16 =	vsub.f32 $1.000000000e+00, v12;
	v27 =	vmul.f32 v18, v5;
	v19 =	vld.idx.msk [tilespmem:v4+s23+$0xFFFFFFA0 ss:$0x1], $0xffff  }
0x264: {  	v20 =	vld.idx.msk [tilespmem:v4+s23+$0xFFFFFFE0 ss:$0x1], $0xffff;
	[tilespmem:v3+s22+$0xFFFFFFF0 ss:$0x1] =	vst.idx.msk $0xffff, v25  }
0x265: {  	s26 =	sand.u32 $0x1, s19;
	s29 =	simm.s32 $0xC00;
	v24 =	vmul.f32 v24, v12;
	v23 =	vmul.f32 v22, v16;
	v18 =	vld.idx.msk [tilespmem:v4+s22+$0xFFFFFFB0 ss:$0x1], $0xffff;
	v22 =	vadd.f32 v27, v26  }
.LBB2_9:
0x266: {  	p2 =	sne.s32 s29, $0xFE00;
	v25 =	vld.idx.msk [tilespmem:v4+s22+$0xFFFFFFF0 ss:$0x1], $0xffff;
	v26 =	vmul.f32 v15, v6;
	v28 =	vmul.f32 v17, v7;
	v6 =	vmovc v8;
	v8 =	vmov v11  }
0x267: {  	s28 =	sadd.s32 $0x1, s28;
	v11 =	vmov v13;
	v27 =	vld.idx.msk [tilespmem:v4+s25+$0xFFFFFFD0 ss:$0x1], $0xffff;
	v17 =	vadd.f32 v24, v23;
	[tilespmem:v3+s21+$0x0 ss:$0x1] =	vst.idx.msk $0xffff, v22;
	v22 =	vmov v21  }
0x268: {  	v13 =	vmovc v16;
	v7 =	vmovc v5;
	v5 =	vmov v9;
	v23 =	vmov s28;
	v15 =	vld.idx.msk [tilespmem:v4+s21+$0xFFFFFFC0 ss:$0x1], $0xffff;
	v24 =	vadd.f32 v28, v26  }
0x269: {  	s30 =	sshra.s32 s29, $0x2;
	v16 =	vmul.f32 v19, v11;
	v20 =	vmul.f32 v20, v10;
	[tilespmem:v3+s24+$0xFFFFFFE0 ss:$0x1] =	vst.idx.msk $0xffff, v17;
	v17 =	vld.idx.msk [tilespmem:v4+s21+$0x0 ss:$0x1], $0xffff  }
.Ltmp3:
0x26a: {  	v9 =	vmov v10;
	v10 =	vmov v12;
	v12 =	vmov v14;
	v21 =	vld.idx.msk [tilespmem:v4+s30+$0xFFFFFF90 ss:$0x1], $0xffff;
	[tilespmem:v3+s20+$0x10 ss:$0x1] =	vst.idx.msk $0xffff, v24;
	s20 =	smov.u32 s21;
	s21 =	smov.u32 s22;
	(pc) =	sbr.rel @p2 .LBB2_9-.Ltmp3, $4  }
0x26b: {  	v24 =	vadd.f32 v20, v16;
	s22 =	smov.u32 s23;
	s23 =	smov.u32 s24;
	v19 =	vld.idx.msk [tilespmem:v4+s24+$0xFFFFFFA0 ss:$0x1], $0xffff;
	s24 =	smov.u32 s25  }
0x26c: {  	v16 =	vsub.f32 $1.000000000e+00, v12;
	v26 =	vmul.f32 v18, v8;
	v25 =	vmul.f32 v25, v5;
	s25 =	smov.u32 s30;
	v20 =	vld.idx.msk [tilespmem:v4+s23+$0xFFFFFFE0 ss:$0x1], $0xffff  }
0x26d: {  	v14 =	vld.idx.msk [tilespmem:v23+s14+$0x0], $0xffff;
	[tilespmem:v3+s22+$0xFFFFFFF0 ss:$0x1] =	vst.idx.msk $0xffff, v24  }
0x26e: {  	s29 =	sadd.s32 $0x200, s29;
	v23 =	vmul.f32 v22, v16;
	v24 =	vmul.f32 v27, v12;
	v22 =	vadd.f32 v25, v26;
	v18 =	vld.idx.msk [tilespmem:v4+s22+$0xFFFFFFB0 ss:$0x1], $0xffff  }
0x26f: {  	_ =	sdelay $0x3  }
0x270: {  	v25 =	vld.idx.msk [tilespmem:v4+s25+$0xFFFFFFD0 ss:$0x1], $0xffff;
	_ =	sdelay $0x2  }
0x271: {  	v26 =	vsub.f32 $1.000000000e+00, v14;
	_ =	sdelay $0x1  }
0x272: {  	v23 =	vadd.f32 v24, v23;
	v21 =	vmul.f32 v21, v26;
	v30 =	vmul.f32 v25, v14;
	_ =	sdelay $0x1  }
0x273: {  	[tilespmem:v3+s24+$0xFFFFFFE0 ss:$0x1] =	vst.idx.msk $0xffff, v23;
	v21 =	vadd.f32 v30, v21  }
0x274: {  	v23 =	vld.idx.msk [tilespmem:v4+s24+$0xFFFFFFA0 ss:$0x1], $0xffff  }
0x275: {  	v31 =	vld.idx.msk [tilespmem:v4+s24+$0xFFFFFFE0 ss:$0x1], $0xffff;
	[tilespmem:v3+s25+$0xFFFFFFE0 ss:$0x1] =	vst.idx.msk $0xffff, v21  }
0x276: {  	v21 =	vld.idx.msk [tilespmem:v4+s25+$0xFFFFFFA0 ss:$0x1], $0xffff  }
0x277: {  	v19 =	vmul.f32 v19, v13;
	v20 =	vmul.f32 v20, v10;
	v32 =	vld.idx.msk [tilespmem:v4+s25+$0xFFFFFFE0 ss:$0x1], $0xffff;
	_ =	sdelay $0x1  }
0x278: {  	v19 =	vadd.f32 v20, v19  }
0x279: {  	v33 =	vmul.f32 v23, v16;
	v34 =	vmul.f32 v31, v12  }
0x27a: {  	v35 =	vld.idx.msk [tilespmem:v4+s22+$0xFFFFFFF0 ss:$0x1], $0xffff;
	[tilespmem:v3+s23+$0xFFFFFFF0 ss:$0x1] =	vst.idx.msk $0xffff, v19  }
0x27b: {  	v19 =	vld.idx.msk [tilespmem:v4+s23+$0xFFFFFFB0 ss:$0x1], $0xffff;
	v20 =	vadd.f32 v34, v33;
	v21 =	vmul.f32 v21, v26;
	v36 =	vmul.f32 v32, v14  }
0x27c: {  	v37 =	vld.idx.msk [tilespmem:v4+s23+$0xFFFFFFF0 ss:$0x1], $0xffff  }
0x27d: {  	[tilespmem:v3+s24+$0xFFFFFFF0 ss:$0x1] =	vst.idx.msk $0xffff, v20;
	v38 =	vadd.f32 v36, v21  }
0x27e: {  	v39 =	vld.idx.msk [tilespmem:v4+s24+$0xFFFFFFB0 ss:$0x1], $0xffff  }
0x27f: {  	v40 =	vld.idx.msk [tilespmem:v4+s24+$0xFFFFFFF0 ss:$0x1], $0xffff;
	[tilespmem:v3+s25+$0xFFFFFFF0 ss:$0x1] =	vst.idx.msk $0xffff, v38  }
0x280: {  	v18 =	vmul.f32 v18, v11;
	v41 =	vmul.f32 v35, v9;
	v42 =	vld.idx.msk [tilespmem:v4+s25+$0xFFFFFFB0 ss:$0x1], $0xffff  }
0x281: {  	v19 =	vmul.f32 v19, v13;
	v25 =	vmul.f32 v37, v10;
	v27 =	vld.idx.msk [tilespmem:v4+s25+$0xFFFFFFF0 ss:$0x1], $0xffff  }
0x282: {  	[tilespmem:v3+s21+$0x0 ss:$0x1] =	vst.idx.msk $0xffff, v22;
	v18 =	vadd.f32 v41, v18  }
0x283: {  	v43 =	vld.idx.msk [tilespmem:v4+s21+$0xFFFFFFC0 ss:$0x1], $0xffff;
	v19 =	vadd.f32 v25, v19  }
0x284: {  	v22 =	vld.idx.msk [tilespmem:v4+s21+$0x0 ss:$0x1], $0xffff;
	[tilespmem:v3+s22+$0x0 ss:$0x1] =	vst.idx.msk $0xffff, v18;
	v44 =	vmul.f32 v39, v16;
	v45 =	vmul.f32 v40, v12  }
0x285: {  	v46 =	vld.idx.msk [tilespmem:v4+s22+$0xFFFFFFC0 ss:$0x1], $0xffff;
	[tilespmem:v3+s23+$0x0 ss:$0x1] =	vst.idx.msk $0xffff, v19  }
0x286: {  	v47 =	vld.idx.msk [tilespmem:v4+s22+$0x0 ss:$0x1], $0xffff;
	v18 =	vadd.f32 v45, v44;
	v48 =	vmul.f32 v42, v26;
	v49 =	vmul.f32 v27, v14  }
0x287: {  	v50 =	vld.idx.msk [tilespmem:v4+s23+$0xFFFFFFC0 ss:$0x1], $0xffff  }
0x288: {  	v51 =	vld.idx.msk [tilespmem:v4+s23+$0x0 ss:$0x1], $0xffff;
	[tilespmem:v3+s24+$0x0 ss:$0x1] =	vst.idx.msk $0xffff, v18;
	v21 =	vadd.f32 v49, v48  }
0x289: {  	v52 =	vld.idx.msk [tilespmem:v4+s24+$0xFFFFFFC0 ss:$0x1], $0xffff  }
0x28a: {  	v6 =	vmul.f32 v15, v6;
	v7 =	vmul.f32 v17, v7;
	v53 =	vld.idx.msk [tilespmem:v4+s24+$0x0 ss:$0x1], $0xffff;
	[tilespmem:v3+s25+$0x0 ss:$0x1] =	vst.idx.msk $0xffff, v21  }
0x28b: {  	v8 =	vmul.f32 v43, v8;
	v5 =	vmul.f32 v22, v5;
	v54 =	vld.idx.msk [tilespmem:v4+s25+$0xFFFFFFC0 ss:$0x1], $0xffff  }
0x28c: {  	v6 =	vadd.f32 v7, v6;
	v55 =	vld.idx.msk [tilespmem:v4+s25+$0x0 ss:$0x1], $0xffff  }
0x28d: {  	v5 =	vadd.f32 v5, v8  }
0x28e: {  	[tilespmem:v3+s20+$0x10 ss:$0x1] =	vst.idx.msk $0xffff, v6;
	v56 =	vmul.f32 v46, v11;
	v57 =	vmul.f32 v47, v9  }
0x28f: {  	[tilespmem:v3+s21+$0x10 ss:$0x1] =	vst.idx.msk $0xffff, v5;
	v58 =	vmul.f32 v50, v13;
	v59 =	vmul.f32 v51, v10  }
0x290: {  	v6 =	vadd.f32 v57, v56;
	v60 =	vmul.f32 v52, v16;
	v61 =	vmul.f32 v53, v12  }
0x291: {  	v5 =	vadd.f32 v59, v58;
	v62 =	vmul.f32 v54, v26;
	v4 =	vmul.f32 v55, v14  }
0x292: {  	p2 =	sne.s32 s18, $0x80;
	[tilespmem:v3+s22+$0x10 ss:$0x1] =	vst.idx.msk $0xffff, v6;
	v63 =	vadd.f32 v61, v60  }
.Ltmp4:
0x293: {  	[tilespmem:v3+s23+$0x10 ss:$0x1] =	vst.idx.msk $0xffff, v5;
	v4 =	vadd.f32 v4, v62;
	(pc) =	sbr.rel @p2 .LBB2_4-.Ltmp4, $4  }
0x294: {  	s31 =	sshll.u32 s26, $0xE;
	s19 =	sshll.u32 s19, $0xB;
	[tilespmem:v3+s24+$0x10 ss:$0x1] =	vst.idx.msk $0xffff, v63  }
0x295: {  	p0 =	por !p0, !p0;
	s19 =	sadd.s32 s19, s6;
	s20 =	sadd.s32 $0xE200, s31;
	[tilespmem:v3+s25+$0x10 ss:$0x1] =	vst.idx.msk $0xffff, v4  }
0x296: {  	[hbm4b:s19+s2] =	stream.linear.scatter [tilespmem:s20], [sflag:$0x2], $0x4000, $0x38;
	[tilespmem:$0x16200] =	vst v63  }
0x297: {  	s17 =	sadd.s32 $0x80, s17;
	p1 =	por !p1, !p1;
	s19 =	smov.u32 s18  }
0x298: {  	s16 =	sadd.s32 $0x1, s16  }
0x299: {  	_ =	swait.ge [sflag:s15], $0x4000;
	p0 =	sne.s32 s16, s7  }
.Ltmp5:
0x29a: {  	[sflag:s15] =	ssyncset.done $0x0;
	(pc) =	sbr.rel @p0 .LBB2_1-.Ltmp5, $4  }
0x29b: {  	[sflag:s15] =	ssyncadd.s32 $0xFFFFC000  }
0x29c: {  	_ =	swait.ge [sflag:s15], $0x4000  }
0x29d: {  	[sflag:s15] =	ssyncset.done $0x0  }
0x29e: {  	[sflag:s15] =	ssyncadd.s32 $0xFFFFC000  }
0x29f: {  	_ =	sfence.sel $0x180000  }
0x2a0: {  	[bflag:$0x0] =	sbarrier.arrive $0xFFFF  }
0x2a1: {  	p0 =	sne.s32 s1, $0x0;
	_ =	strace $0x9000004A  }
0x2a2: {  	s0 =	sadd.s32 @!p0 $0x100000, s0;
	[bflag:$0x2] =	sbarrier.arrive $0xFFFF  }
0x2a3: {  	[sflag:s0] =	ssyncadd.tile.s32 @!p0 $0x1;
	_ =	shalt  }
.Lfunc_end2:
_tile_overlayer_lowered:
.L_overlay_start_2:
0x2a4: {  	(tag) =	ssettag $0x2  }
0x2a5: {  	s0 =	rddreg [dreg:$0x0];
	s2 =	stileid.u32  }
0x2a6: {  	s1 =	rddreg [dreg:$0x1];
	p0 =	sne.s32 s2, $0x0  }
0x2a7: {  	s3 =	rddreg [dreg:$0x2];
	[bflag:$0x3] =	sbarrier.arrive $0xFFFF;
	s2 =	simm.s32 @!p0 $0x1C03  }
0x2a8: {  	[timem:s3], [sflag:s2] =	dma.local @!p0 [hbm:s0], s1  }
0x2a9: {  	s0 =	simm.s32 @!p0 $0x3  }
0x2aa: {  	_ =	swait.ge @!p0 [sflag:s0], s1  }
0x2ab: {  	s1 =	ssub.s32 @!p0 $0x0, s1;
	[sflag:s0] =	ssyncset.done @!p0 $0x0  }
0x2ac: {  	[sflag:s0] =	ssyncadd.s32 @!p0 s1  }
0x2ad: {  	[bflag:$0x3] =	sbarrier.arrive $0xFFFF  }
0x2ae: {  	_ =	shalt  }

// kernel: sparse-core-data-format-call.1.cloned.1.call-start
scs
called_computation.1_lowered:
.L_overlay_start_0:
0x0: {  	s2 =	sld [smem:$0x3FD9]  }
0x1: {  	s3 =	sld [smem:$0x3FFE];
	_ =	sdelay $0x1  }
0x2: {  	s1 =	srdreg.scid  }
0x3: {  	s0 =	sand.u32 $0x1, s1  }
0x4: {  	s18 =	sshll.u32 s0, $0xA;
	s2 =	sadd.s32 s3, s2  }
0x5: {  	s2 =	sadd.s32 s2, s18  }
0x6: {  	[smem:$0x3FC5] =	sst s2  }
0x7: {  	_ = 	snop  }
0x8: {  	s2 =	sld [smem:$0x3FD0];
	(tm) =	ssettm $0x1  }
0x9: {  	s19 =	sld [smem:$0x3FFB];
	_ =	sdelay $0x3  }
0xa: {  	_ =	strace s19  }
0xb: {  	s3 =	sld [smem:$0x3FFC];
	_ =	sdelay $0x3  }
0xc: {  	_ =	strace s3  }
0xd: {  	s3 =	sld [smem:$0x3FFD];
	_ =	sdelay $0x3  }
0xe: {  	_ =	strace s3  }
0xf: {  	_ =	strace $0x8FFFFFFF  }
0x10: {  	s20 =	sld [smem:$0x3FDB];
	_ =	sdelay $0x1  }
0x11: {  	s4 =	simm.s32 $_scs_section_size  }
0x12: {  	s5 =	simm.s32 $_size__tile_overlayer_lowered;
	s6 =	simm.s32 $_tile_overlayer_lowered  }
0x13: {  	s23 =	simm.s32 $0x1BFF;
	s22 =	sshll.u32 s6, $0x1;
	s3 =	sadd.s32 s4, s20  }
0x14: {  	s7 =	simm.s32 $0x0;
	s21 =	sshll.u32 s5, $0x1;
	s5 =	sadd.s32 s22, s3  }
0x15: {  	[timem:s7], [sflag:s23] =	dma.local [hbm:s5], s21  }
0x16: {  	_ =	swait.ge [sflag:s23], s21  }
0x17: {  	s4 =	ssub.s32 $0x0, s21;
	[sflag:s23] =	ssyncset.done $0x0  }
0x18: {  	[sflag:s23] =	ssyncadd.s32 s4;
	_ =	sdelay $0x1  }
0x19: {  	s24 =	simm.s32 $0x1B8B  }
0x1a: {  	_ =	swait.ge [sflag:s24], $0x1  }
0x1b: {  	[sflag:s24] =	ssyncset.done $0x0  }
0x1c: {  	s26 =	simm.s32 $0x1B8E;
	s25 =	sld [smem:$0x3FFE];
	[sflag:s24] =	ssyncadd.s32 $0xFFFFFFFF  }
0x1d: {  	s27 =	simm.s32 $execute0_lowered;
	[smem:$0x3FD2] =	sst s26  }
0x1e: {  	s5 =	sshll.u32 s27, $0x1;
	_ =	strace $0x80000046;
	[dreg:$0x1] =	wrdreg $0xFFFFFFFF  }
0x1f: {  	s28 =	simm.s32 $_size_execute0_lowered;
	s3 =	sadd.s32 s3, s5;
	[dreg:$0x0] =	wrdreg $0x0  }
0x20: {  	s5 =	sshll.u32 s28, $0x1;
	[dreg:$0x2] =	wrdreg s3  }
0x21: {  	[dreg:$0x3] =	wrdreg s5  }
0x22: {  	[dreg:$0x4] =	wrdreg $0xC0  }
0x23: {  	_ =	task [dreg:s7], $0x5FFFF  }
0x24: {  	[dreg:$0x1] =	wrdreg $0xFFFFFFFF  }
0x25: {  	[dreg:$0x0] =	wrdreg $0x60  }
0x26: {  	[dreg:$0x2] =	wrdreg s2  }
0x27: {  	[dreg:$0x3] =	wrdreg s25  }
0x28: {  	[dreg:$0x4] =	wrdreg $0x9  }
0x29: {  	_ =	task.clear_ibuf [dreg:s7], $0x5FFFF;
	_ =	strace $0x90000046  }
0x2a: {  	s29 =	simm.s32 $0x9;
	_ =	strace $0x80000048  }
0x2b: {  	_ =	swait.ge [sflag:s29], $0x1  }
0x2c: {  	[sflag:s29] =	ssyncadd.s32 $0xFFFFFFFF  }
0x2d: {  	_ =	strace $0x90000048  }
0x2e: {  	_ =	sfence  }
0x2f: {  	s30 =	sld [smem:$0x0];
	_ =	sdelay $0x2  }
0x30: {  	s31 =	sshll.u32 s1, $0xD;
	s1 =	sshrl.u32 s1, $0x2  }
0x31: {  	s3 =	sand.u32 $0x4000, s31;
	s1 =	sadd.s32 s1, s30  }
0x32: {  	s0 =	sor.u32 s3, s0;
	s1 =	sshll.u32 s1, $0x11  }
0x33: {  	s0 =	sor.u32 s1, s0  }
0x34: {  	s0 =	sadd.s32 $0x8F2B, s0  }
0x35: {  	[sflag:s0] =	ssyncadd.remote.s32 $0x1  }
0x36: {  	_ =	sfence.sel $0xFFFF  }
0x37: {  	[dreg:$0x0] =	wrdreg $0xFFFFFFFF;
	(pc) =	sbr.abs _section_cstart, $3  }
0x38: {  	[dreg:$0x1] =	wrdreg $0xFFFFFFFF  }
0x39: {  	_ =	task.clear_ibuf [dreg:s7], $0x2FFFF;
	_ =	strace $0x9FFFFFFF  }
0x3a: {  	(tm) =	ssettm $0x7FFFFFFF  }
0x3b: {  	_ =	shalt  }
tec
execute0_lowered:
.L_overlay_start_1:
0x0: {  	(tag) =	ssettag $0x1  }
0x1: {  	s0 =	stileid.u32  }
0x2: {  	s1 =	srdreg.scid;
	s2 =	rddreg [dreg:$0x0]  }
0x3: {  	s4 =	rddreg [dreg:$0x1];
	s7 =	simm.s32 $0x1;
	s8 =	simm.s32 $0x2  }
0x4: {  	s15 =	simm.s32 $0x0;
	s3 =	sshll.u32 s0, $0x4;
	s1 =	sshll.u32 s1, $0x8  }
0x5: {  	s13 =	simm.s32 $0x0;
	s14 =	simm.s32 $0x0;
	s1 =	sor.u32 s3, s1  }
0x6: {  	s10 =	simm.s32 $0x0;
	s12 =	simm.s32 $0x0;
	s3 =	sand.u32 $0x180, s1  }
0x7: {  	s4 =	sadd.s32 $0x1C00, s4;
	s1 =	rddreg [dreg:$0x2];
	s6 =	ssub.s32 $0x2000, s3  }
.Ltmp0:
0x8: {  	_ =	strace $0x80000047;
	s5 =	sand.u32 $0x180, s6;
	(pc) =	sbr.rel .LBB1_1-.Ltmp0, $4  }
0x9: {  	s9 =	smov.u32 s3;
	p0 =	sne.s32 s5, $0x0;
	s5 =	simm.s32 $0x1  }
0xa: {  	s6 =	sshrl.u32 s6, $0x9;
	s7 =	simm.s32 @!p0 $0x0;
	[sflag:s5] =	ssyncpa.u1 $0x0  }
0xb: {  	p0 =	por $0x0, $0x0;
	s6 =	sadd.s32 s7, s6;
	s7 =	sand.u32 $0x7, s0  }
0xc: {  	[sflag:s8] =	ssyncpa.u1 $0x0;
	s8 =	sadd.s32 $0x1, s6;
	s11 =	smov.u32 s7  }
.LBB1_4:
0xd: {  	v5 =	vld [tilespmem:s19+$0xFFFFFFD0];
	[tilespmem:s18+$0x2040 ss:$0x81] =	vst.msk $0xffff, v1  }
0xe: {  	v58 =	vld [tilespmem:s19+$0xFFFFFFE0];
	[tilespmem:s18+$0x2850 ss:$0x81] =	vst.msk $0xffff, v2  }
0xf: {  	s20 =	sshra.s32 s20, $0x2;
	v59 =	vld [tilespmem:s19+$0xFFFFFFF0];
	[tilespmem:s18+$0x3060 ss:$0x81] =	vst.msk $0xffff, v3  }
0x10: {  	v60 =	vld [tilespmem:s19+$0x0];
	[tilespmem:s18+$0x0 ss:$0x81] =	vst.msk $0xffff, v0;
	s17 =	sadd.s32 s20, s17  }
0x11: {  	v61 =	vld [tilespmem:s19+$0x10];
	[tilespmem:s17+$0x3870 ss:$0x81] =	vst.msk $0xffff, v4  }
0x12: {  	v62 =	vld [tilespmem:s19+$0x20];
	s15 =	sshll.u32 s15, $0x7;
	s28 =	sshll.u32 s13, $0x3;
	[tilespmem:s17+$0x810 ss:$0x81] =	vst.msk $0xffff, v5  }
0x13: {  	v63 =	vld [tilespmem:s19+$0xFFFFFFC0];
	s29 =	sand.u32 $0xFFC00, s15;
	s18 =	sand.u32 $0xFFC00, s28;
	[tilespmem:s17+$0x1020 ss:$0x81] =	vst.msk $0xffff, v58  }
0x14: {  	s15 =	sand.u32 $0x380, s15;
	s18 =	sadd.s32 s18, s29;
	[tilespmem:s17+$0x1830 ss:$0x81] =	vst.msk $0xffff, v59  }
0x15: {  	s14 =	sshll.u32 s14, $0x11;
	s30 =	sshrl.u32 s13, $0x3;
	s15 =	sor.u32 s15, s18;
	[tilespmem:s17+$0x2040 ss:$0x81] =	vst.msk $0xffff, v60  }
0x16: {  	s14 =	sadd.s32 s4, s14;
	s18 =	sand.u32 $0xF, s30;
	s15 =	sshrl.u32 s15, $0x3;
	[tilespmem:s17+$0x2850 ss:$0x81] =	vst.msk $0xffff, v61  }
0x17: {  	s14 =	sadd.s32 s18, s14;
	[tilespmem:s17+$0x3060 ss:$0x81] =	vst.msk $0xffff, v62;
	s15 =	sand.u32 $0x1FFF0, s15  }
0x18: {  	s31 =	sand.u32 $0x7, s13;
	[tilespmem:s17+$0x0 ss:$0x81] =	vst.msk $0xffff, v63;
	s14 =	sadd.s32 s15, s14  }
0x19: {  	[hbm4b:s14+s31] =	stream.linear.scatter [tilespmem:s16], [sflag:$0x2], $0x4000, $0x20;
	[tilespmem:$0x10100] =	vst v63  }
.LBB1_5:
0x1a: {  	s16 =	sadd.s32 $0x200, s9  }
0x1b: {  	s13 =	sadd.s32 $0x80, s10;
	s17 =	smov.u32 s10;
	p2 =	sgt.s32 s16, $0x1FFF  }
0x1c: {  	s17 =	smov.u32 @p2 s13  }
0x1d: {  	s19 =	smov.u32 s11;
	s13 =	sadd.s32 $0x8, s11;
	p3 =	sgt.s32 s17, $0x7F  }
0x1e: {  	s19 =	smov.u32 @p3 s13  }
0x1f: {  	s16 =	smov.u32 @p2 s3;
	p2 =	sgt.s32 s19, $0x7  }
0x20: {  	p1 =	slt.u32 s12, $0x2;
	s19 =	smov.u32 @p2 s7;
	p2 =	sne.s32 s12, s8  }
.Ltmp1:
0x21: {  	s18 =	simm.s32 @!p1 $0x2;
	(pc) =	sbr.rel @!p2 .LBB1_6-.Ltmp1, $4  }
0x22: {  	s15 =	smov.u32 s9;
	s14 =	smov.u32 s11;
	_ =	swait.ge @!p1 [sflag:s18], $0x4000  }
0x23: {  	p0 =	por !p0, !p0;
	[sflag:s18] =	ssyncset.done @!p1 $0x0;
	s9 =	smov.u32 s16  }
0x24: {  	s17 =	simm.s32 @p3 $0x0;
	s13 =	smov.u32 s10;
	[sflag:s18] =	ssyncadd.s32 @!p1 $0xFFFFC000  }
0x25: {  	s10 =	smov.u32 s17;
	s12 =	sadd.s32 $0x1, s12;
	s11 =	smov.u32 s19  }
.LBB1_1:
0x26: {  	p1 =	sge.u32 s12, s6;
	s31 =	sadd.s32 $0xFFFFFFFF, s12  }
0x27: {  	s16 =	sxor.u32 @!p1 $0xFFFFFFFF, s12;
	s17 =	sand.u32 @!p1 $0x78, s9;
	s18 =	sshll.u32 @!p1 s10, $0xD  }
0x28: {  	s19 =	sshll.u32 @!p1 s10, $0x7;
	s20 =	sshll.u32 @!p1 s9, $0x3;
	s16 =	sshll.u32 @!p1 s16, $0xE  }
0x29: {  	s18 =	sand.u32 @!p1 $0xF0000, s18;
	s19 =	sand.u32 @!p1 $0x380, s19;
	s16 =	sand.u32 @!p1 $0x4000, s16  }
0x2a: {  	s18 =	sadd.s32 @!p1 s18, s20;
	s20 =	sand.u32 @!p1 $0x1C00, s20;
	s17 =	sor.u32 @!p1 s19, s17  }
0x2b: {  	s19 =	sshll.u32 @!p1 s11, $0x11;
	s17 =	sor.u32 @!p1 s20, s17;
	s18 =	sshrl.u32 @!p1 s18, $0x3  }
0x2c: {  	s19 =	sadd.s32 @!p1 s2, s19;
	s20 =	sand.u32 @!p1 $0x7, s9;
	s18 =	sand.u32 @!p1 $0x1FC00, s18  }
0x2d: {  	s17 =	sshrl.u32 @!p1 s17, $0x3;
	s18 =	sadd.s32 @!p1 s18, s19;
	s19 =	sshll.u32 @!p1 s20, $0x12  }
0x2e: {  	s17 =	sadd.s32 @!p1 s17, s18;
	s18 =	sor.u32 @!p1 $0x400, s19;
	s19 =	simm.s32 @!p1 $0x10000  }
0x2f: {  	[tilespmem:s16], [sflag:$0x1] =	stream.strided.gather @!p1 [hbm4b:s17+s18], $0x4000, s19, s18, $0x38;
	[tilespmem:$0x10100] =	vst v63  }
0x30: {  	p1 =	sge.u32 s31, s6  }
.Ltmp2:
0x31: {  	_ = 	snop;
	(pc) =	sbr.rel @p1 .LBB1_5-.Ltmp2, $1  }
0x32: {  	_ =	sdelay $0x3  }
0x33: {  	s16 =	simm.s32 $0x1  }
0x34: {  	_ =	swait.ge [sflag:s5], $0x4000;
	s16 =	simm.s32 @!p0 $0x0  }
0x35: {  	[sflag:s5] =	ssyncset.done $0x0;
	s17 =	sshll.u32 s16, $0xE  }
0x36: {  	[sflag:s5] =	ssyncadd.s32 $0xFFFFC000;
	s19 =	sor.u32 $0x40, s17  }
0x37: {  	s16 =	smul.u32 $0x10200, s16;
	v0 =	vld [tilespmem:s19+$0x30]  }
0x38: {  	v3 =	vld [tilespmem:s19+$0xFFFFFFD0]  }
0x39: {  	s16 =	sshrl.u32 s16, $0x2;
	v4 =	vld [tilespmem:s19+$0xFFFFFFE0]  }
0x3a: {  	v5 =	vld [tilespmem:s19+$0xFFFFFFF0];
	s17 =	sor.u32 $0x8000, s16  }
0x3b: {  	s31 =	sand.u32 $0x1, s12;
	v1 =	vld [tilespmem:s19+$0x0];
	s18 =	sadd.s32 $0x0, s17  }
0x3c: {  	v2 =	vld [tilespmem:s19+$0x10];
	s16 =	smul.u32 $0x10200, s31;
	[tilespmem:s18+$0x3870 ss:$0x81] =	vst.msk $0xffff, v0  }
0x3d: {  	[tilespmem:s18+$0x810 ss:$0x81] =	vst.msk $0xffff, v3;
	v3 =	vld [tilespmem:s19+$0x20]  }
0x3e: {  	s16 =	sshrl.u32 s16, $0x2;
	v0 =	vld [tilespmem:s19+$0xFFFFFFC0];
	[tilespmem:s18+$0x1020 ss:$0x81] =	vst.msk $0xffff, v4;
	s19 =	sadd.s32 $0x80, s19  }
0x3f: {  	s20 =	simm.s32 $0x4;
	s21 =	simm.s32 $0x8;
	s16 =	sor.u32 $0x8000, s16;
	[tilespmem:s18+$0x1830 ss:$0x81] =	vst.msk $0xffff, v5;
	v4 =	vld [tilespmem:s19+$0x30]  }
.LBB1_3:
0x40: {  	p1 =	sne.s32 s21, $0x1FC;
	v5 =	vld [tilespmem:s19+$0xFFFFFFD0];
	[tilespmem:s18+$0x2040 ss:$0x81] =	vst.msk $0xffff, v1  }
0x41: {  	v6 =	vld [tilespmem:s19+$0xFFFFFFE0];
	[tilespmem:s18+$0x2850 ss:$0x81] =	vst.msk $0xffff, v2  }
0x42: {  	s22 =	sshra.s32 s20, $0x2;
	s20 =	smov.u32 s21;
	v7 =	vld [tilespmem:s19+$0xFFFFFFF0];
	[tilespmem:s18+$0x3060 ss:$0x81] =	vst.msk $0xffff, v3  }
.Ltmp3:
0x43: {  	v1 =	vld [tilespmem:s19+$0x0];
	[tilespmem:s18+$0x0 ss:$0x81] =	vst.msk $0xffff, v0;
	s18 =	sadd.s32 s22, s17;
	(pc) =	sbr.rel @p1 .LBB1_3-.Ltmp3, $4  }
0x44: {  	v2 =	vld [tilespmem:s19+$0x10];
	[tilespmem:s18+$0x3870 ss:$0x81] =	vst.msk $0xffff, v4  }
0x45: {  	[tilespmem:s18+$0x810 ss:$0x81] =	vst.msk $0xffff, v5;
	v3 =	vld [tilespmem:s19+$0x20]  }
0x46: {  	v0 =	vld [tilespmem:s19+$0xFFFFFFC0];
	[tilespmem:s18+$0x1020 ss:$0x81] =	vst.msk $0xffff, v6;
	s19 =	sadd.s32 $0x80, s19  }
0x47: {  	s21 =	sadd.s32 $0x4, s21;
	v4 =	vld [tilespmem:s19+$0x30];
	[tilespmem:s18+$0x1830 ss:$0x81] =	vst.msk $0xffff, v7  }
.Ltmp4:
0x48: {  	_ = 	snop;
	(pc) =	sbr.rel .LBB1_4-.Ltmp4, $1  }
0x49: {  	_ =	sdelay $0x3  }
.LBB1_6:
0x4a: {  	_ =	sfence.sel $0x180000  }
0x4b: {  	s2 =	simm.s32 $0x1;
	[bflag:$0x0] =	sbarrier.arrive $0xFFFF  }
0x4c: {  	s31 =	simm.s32 $0x2;
	[sflag:s2] =	ssyncpa.u1 $0x1  }
0x4d: {  	[sflag:s31] =	ssyncpa.u1 $0x1  }
0x4e: {  	p0 =	sne.s32 s0, $0x0;
	_ =	strace $0x90000047  }
0x4f: {  	s0 =	sadd.s32 @!p0 $0x100000, s1;
	[bflag:$0x2] =	sbarrier.arrive $0xFFFF  }
0x50: {  	[sflag:s0] =	ssyncadd.tile.s32 @!p0 $0x1;
	_ =	shalt  }
.Lfunc_end1:
_tile_overlayer_lowered:
.L_overlay_start_2:
0x51: {  	(tag) =	ssettag $0x2  }
0x52: {  	s0 =	rddreg [dreg:$0x0];
	s2 =	stileid.u32  }
0x53: {  	s1 =	rddreg [dreg:$0x1];
	p0 =	sne.s32 s2, $0x0  }
0x54: {  	s3 =	rddreg [dreg:$0x2];
	[bflag:$0x3] =	sbarrier.arrive $0xFFFF;
	s2 =	simm.s32 @!p0 $0x1C01  }
0x55: {  	[timem:s3], [sflag:s2] =	dma.local @!p0 [hbm:s0], s1  }
0x56: {  	s0 =	simm.s32 @!p0 $0x1  }
0x57: {  	_ =	swait.ge @!p0 [sflag:s0], s1  }
0x58: {  	s1 =	ssub.s32 @!p0 $0x0, s1;
	[sflag:s0] =	ssyncset.done @!p0 $0x0  }
0x59: {  	[sflag:s0] =	ssyncadd.s32 @!p0 s1  }
0x5a: {  	[bflag:$0x3] =	sbarrier.arrive $0xFFFF  }
0x5b: {  	_ =	shalt  }

// kernel: sparse-core-data-format-call.cloned.1.call-start
scs
called_computation_lowered:
.L_overlay_start_0:
0x0: {  	s2 =	sld [smem:$0x3FD9]  }
0x1: {  	s3 =	sld [smem:$0x3FFE];
	_ =	sdelay $0x1  }
0x2: {  	s1 =	srdreg.scid  }
0x3: {  	s0 =	sand.u32 $0x1, s1  }
0x4: {  	s18 =	sshll.u32 s0, $0xA;
	s2 =	sadd.s32 s3, s2  }
0x5: {  	s2 =	sadd.s32 s2, s18  }
0x6: {  	[smem:$0x3FC5] =	sst s2  }
0x7: {  	_ = 	snop  }
0x8: {  	s2 =	sld [smem:$0x3FD0];
	(tm) =	ssettm $0x1  }
0x9: {  	s19 =	sld [smem:$0x3FFB];
	_ =	sdelay $0x3  }
0xa: {  	_ =	strace s19  }
0xb: {  	s3 =	sld [smem:$0x3FFC];
	_ =	sdelay $0x3  }
0xc: {  	_ =	strace s3  }
0xd: {  	s3 =	sld [smem:$0x3FFD];
	_ =	sdelay $0x3  }
0xe: {  	_ =	strace s3  }
0xf: {  	_ =	strace $0x8FFFFFFF  }
0x10: {  	s20 =	sld [smem:$0x3FDB];
	_ =	sdelay $0x1  }
0x11: {  	s4 =	simm.s32 $_scs_section_size  }
0x12: {  	s5 =	simm.s32 $_size__tile_overlayer_lowered;
	s6 =	simm.s32 $_tile_overlayer_lowered  }
0x13: {  	s23 =	simm.s32 $0x1BFF;
	s22 =	sshll.u32 s6, $0x1;
	s3 =	sadd.s32 s4, s20  }
0x14: {  	s7 =	simm.s32 $0x0;
	s21 =	sshll.u32 s5, $0x1;
	s5 =	sadd.s32 s22, s3  }
0x15: {  	[timem:s7], [sflag:s23] =	dma.local [hbm:s5], s21  }
0x16: {  	_ =	swait.ge [sflag:s23], s21  }
0x17: {  	s4 =	ssub.s32 $0x0, s21;
	[sflag:s23] =	ssyncset.done $0x0  }
0x18: {  	[sflag:s23] =	ssyncadd.s32 s4;
	_ =	sdelay $0x1  }
0x19: {  	s24 =	simm.s32 $0x1B8B  }
0x1a: {  	_ =	swait.ge [sflag:s24], $0x1  }
0x1b: {  	[sflag:s24] =	ssyncset.done $0x0  }
0x1c: {  	s26 =	simm.s32 $0x1B8E;
	s25 =	sld [smem:$0x3FFE];
	[sflag:s24] =	ssyncadd.s32 $0xFFFFFFFF  }
0x1d: {  	s27 =	simm.s32 $execute0_lowered;
	[smem:$0x3FD2] =	sst s26  }
0x1e: {  	s5 =	sshll.u32 s27, $0x1;
	_ =	strace $0x8000004C;
	[dreg:$0x1] =	wrdreg $0xFFFFFFFF  }
0x1f: {  	s28 =	simm.s32 $_size_execute0_lowered;
	s3 =	sadd.s32 s3, s5;
	[dreg:$0x0] =	wrdreg $0x0  }
0x20: {  	s5 =	sshll.u32 s28, $0x1;
	[dreg:$0x2] =	wrdreg s3  }
0x21: {  	[dreg:$0x3] =	wrdreg s5  }
0x22: {  	[dreg:$0x4] =	wrdreg $0xC0  }
0x23: {  	_ =	task [dreg:s7], $0x5FFFF  }
0x24: {  	[dreg:$0x1] =	wrdreg $0xFFFFFFFF  }
0x25: {  	[dreg:$0x0] =	wrdreg $0x60  }
0x26: {  	[dreg:$0x2] =	wrdreg s25  }
0x27: {  	[dreg:$0x3] =	wrdreg s2  }
0x28: {  	[dreg:$0x4] =	wrdreg $0x9  }
0x29: {  	_ =	task.clear_ibuf [dreg:s7], $0x5FFFF;
	_ =	strace $0x9000004C  }
0x2a: {  	s29 =	simm.s32 $0x9;
	_ =	strace $0x8000004E  }
0x2b: {  	_ =	swait.ge [sflag:s29], $0x1  }
0x2c: {  	[sflag:s29] =	ssyncadd.s32 $0xFFFFFFFF  }
0x2d: {  	_ =	strace $0x9000004E  }
0x2e: {  	_ =	sfence  }
0x2f: {  	s30 =	sld [smem:$0x0];
	_ =	sdelay $0x2  }
0x30: {  	s31 =	sshll.u32 s1, $0xD;
	s1 =	sshrl.u32 s1, $0x2  }
0x31: {  	s3 =	sand.u32 $0x4000, s31;
	s1 =	sadd.s32 s1, s30  }
0x32: {  	s0 =	sor.u32 s3, s0;
	s1 =	sshll.u32 s1, $0x11  }
0x33: {  	s0 =	sor.u32 s1, s0  }
0x34: {  	s0 =	sadd.s32 $0x8F2B, s0  }
0x35: {  	[sflag:s0] =	ssyncadd.remote.s32 $0x1  }
0x36: {  	_ =	sfence.sel $0xFFFF  }
0x37: {  	[dreg:$0x0] =	wrdreg $0xFFFFFFFF;
	(pc) =	sbr.abs _section_cstart, $3  }
0x38: {  	[dreg:$0x1] =	wrdreg $0xFFFFFFFF  }
0x39: {  	_ =	task.clear_ibuf [dreg:s7], $0x2FFFF;
	_ =	strace $0x9FFFFFFF  }
0x3a: {  	(tm) =	ssettm $0x7FFFFFFF  }
0x3b: {  	_ =	shalt  }
tec
execute0_lowered:
.L_overlay_start_1:
0x0: {  	(tag) =	ssettag $0x1  }
0x1: {  	s8 =	rddreg [dreg:$0x0]  }
0x2: {  	s0 =	stileid.u32;
	s1 =	srdreg.scid  }
0x3: {  	s2 =	rddreg [dreg:$0x1];
	s31 =	simm.s32 $0x2;
	s14 =	simm.s32 $0x0  }
0x4: {  	s15 =	simm.s32 $0x0;
	s13 =	simm.s32 $0x0;
	s3 =	sshll.u32 s0, $0x1  }
0x5: {  	s4 =	sshll.u32 s0, $0x5;
	s1 =	sshll.u32 s1, $0x9;
	s3 =	sand.u32 $0x6, s3  }
0x6: {  	s4 =	sor.u32 s4, s1;
	s1 =	rddreg [dreg:$0x2];
	_ =	strace $0x8000004D  }
0x7: {  	s4 =	sand.u32 $0x380, s4;
	s5 =	ssub.s32 $0x8, s3;
	s12 =	smov.u32 s3  }
0x8: {  	s6 =	sand.u32 $0x6, s5;
	s7 =	ssub.s32 $0x10000, s4;
	s10 =	sshrl.u32 s5, $0x3  }
0x9: {  	p0 =	sne.s32 s6, $0x0;
	s6 =	simm.s32 $0x1;
	s9 =	sand.u32 $0x380, s7  }
0xa: {  	s6 =	simm.s32 @!p0 $0x0;
	p0 =	sne.s32 s9, $0x0;
	s9 =	simm.s32 $0x1  }
.Ltmp0:
0xb: {  	s7 =	sshrl.u32 s7, $0xA;
	s9 =	simm.s32 @!p0 $0x0;
	(pc) =	sbr.rel .LBB1_1-.Ltmp0, $4  }
0xc: {  	s5 =	simm.s32 $0x1;
	s6 =	sadd.s32 s6, s10;
	s7 =	sadd.s32 s9, s7  }
0xd: {  	s11 =	smov.u32 s4;
	[sflag:s5] =	ssyncpa.u1 $0x0;
	s6 =	smul.u32 s6, s7  }
0xe: {  	[sflag:s31] =	ssyncpa.u1 $0x0;
	p0 =	por $0x0, $0x0;
	s10 =	simm.s32 $0x80000  }
0xf: {  	s7 =	sadd.s32 $0x101C00, s8;
	s8 =	sadd.s32 $0x201C00, s8;
	s9 =	sadd.s32 $0x1, s6  }
.LBB1_7:
0x10: {  	s16 =	sadd.s32 $0x400, s11  }
0x11: {  	s14 =	sadd.s32 $0x8, s12;
	s18 =	smov.u32 s12;
	p2 =	sgt.s32 s16, $0xFFFF  }
0x12: {  	s18 =	smov.u32 @p2 s14  }
0x13: {  	s16 =	smov.u32 @p2 s4;
	p2 =	sgt.s32 s18, $0x7  }
0x14: {  	s18 =	smov.u32 @p2 s3;
	p2 =	sne.s32 s13, s9  }
.Ltmp1:
0x15: {  	p1 =	slt.u32 s13, $0x2;
	(pc) =	sbr.rel @!p2 .LBB1_8-.Ltmp1, $4  }
0x16: {  	s17 =	simm.s32 @!p1 $0x2  }
0x17: {  	s15 =	smov.u32 s12;
	p0 =	por !p0, !p0;
	_ =	swait.ge @!p1 [sflag:s17], $0x4000  }
0x18: {  	s14 =	smov.u32 s11;
	[sflag:s17] =	ssyncset.done @!p1 $0x0;
	s11 =	smov.u32 s16  }
0x19: {  	s13 =	sadd.s32 $0x1, s13;
	[sflag:s17] =	ssyncadd.s32 @!p1 $0xFFFFC000;
	s12 =	smov.u32 s18  }
.LBB1_1:
0x1a: {  	p1 =	sge.u32 s13, s6  }
0x1b: {  	s16 =	sxor.u32 @!p1 $0xFFFFFFFF, s13;
	s17 =	sshll.u32 @!p1 s12, $0x14  }
0x1c: {  	s18 =	sshll.u32 @!p1 s11, $0x4;
	s20 =	simm.s32 @!p1 $0x40;
	s21 =	simm.s32 @!p1 $0x80  }
0x1d: {  	s16 =	sshll.u32 @!p1 s16, $0xE;
	s18 =	sand.u32 @!p1 $0xFFFF0, s18;
	s19 =	sadd.s32 @!p1 s7, s17  }
0x1e: {  	s17 =	sadd.s32 @!p1 s17, s8;
	s16 =	sand.u32 @!p1 $0x4000, s16;
	s19 =	sadd.s32 @!p1 s18, s19  }
0x1f: {  	[tilespmem:s16], [sflag:$0x1] =	stream.strided.gather @!p1 [hbm4b:s19+s20], $0x2000, s21, s20, $0x38;
	[tilespmem:$0x10100] =	vst v63  }
0x20: {  	s31 =	sadd.s32 $0xFFFFFFFF, s13;
	s17 =	sadd.s32 @!p1 s18, s17;
	s16 =	sor.u32 @!p1 $0x2000, s16  }
0x21: {  	[tilespmem:s16], [sflag:$0x1] =	stream.strided.gather @!p1 [hbm4b:s17+s20], $0x2000, s21, s20, $0x38;
	[tilespmem:$0x10100] =	vst v63  }
0x22: {  	p1 =	sge.u32 s31, s6  }
.Ltmp2:
0x23: {  	_ = 	snop;
	(pc) =	sbr.rel @p1 .LBB1_7-.Ltmp2, $1  }
0x24: {  	_ =	sdelay $0x3  }
0x25: {  	s16 =	simm.s32 $0x1;
	s18 =	sand.u32 $0x1, s13  }
0x26: {  	_ =	swait.ge [sflag:s5], $0x4000;
	s16 =	simm.s32 @!p0 $0x0;
	s18 =	smul.u32 $0x10200, s18  }
0x27: {  	p2 =	por $0x1, $0x1;
	[sflag:s5] =	ssyncset.done $0x0;
	s17 =	smul.u32 $0x10200, s16  }
0x28: {  	s19 =	sshll.u32 s16, $0x10;
	[sflag:s5] =	ssyncadd.s32 $0xFFFFC000;
	s30 =	sshrl.u32 s18, $0x2  }
0x29: {  	s31 =	sshrl.u32 s19, $0x2;
	s19 =	simm.s32 $0x0;
	s17 =	sshrl.u32 s17, $0x2  }
0x2a: {  	s16 =	sor.u32 $0x8000, s30;
	s18 =	sadd.s32 $0x20, s31;
	s17 =	sor.u32 $0x8000, s17  }
.LBB1_3:
0x2b: {  	s20 =	sshll.u32 s19, $0xD  }
0x2c: {  	s20 =	sand.u32 $0x3FFFE000, s20  }
0x2d: {  	s22 =	sadd.s32 s20, s18  }
0x2e: {  	s31 =	smul.u32 $0x8100, s19;
	v3 =	vld [tilespmem:s22+$0x10]  }
0x2f: {  	v1 =	vld [tilespmem:s22+$0xFFFFFFF0]  }
0x30: {  	s19 =	sshra.s32 s31, $0x2;
	v0 =	vld [tilespmem:s22+$0x0]  }
0x31: {  	s19 =	sadd.s32 s19, s17;
	v2 =	vld [tilespmem:s22+$0xFFFFFFE0]  }
0x32: {  	s20 =	sadd.s32 $0x0, s19  }
0x33: {  	p1 =	por p2, p2;
	s21 =	simm.s32 $0x4;
	s22 =	sadd.s32 $0x40, s22;
	[tilespmem:s20+$0x1830 ss:$0x81] =	vst.msk $0xffff, v3  }
.LBB1_4:
0x34: {  	v3 =	vld [tilespmem:s22+$0x10];
	p2 =	sne.s32 s21, $0x1FC;
	[tilespmem:s20+$0x810 ss:$0x81] =	vst.msk $0xffff, v1;
	s23 =	smov.u32 s21;
	s21 =	sadd.s32 $0x4, s21  }
.Ltmp3:
0x35: {  	v1 =	vld [tilespmem:s22+$0xFFFFFFF0];
	[tilespmem:s20+$0x1020 ss:$0x81] =	vst.msk $0xffff, v0;
	(pc) =	sbr.rel @p2 .LBB1_4-.Ltmp3, $4  }
0x36: {  	v0 =	vld [tilespmem:s22+$0x0];
	[tilespmem:s20+$0x0 ss:$0x81] =	vst.msk $0xffff, v2  }
0x37: {  	s20 =	sshra.s32 s23, $0x2;
	v2 =	vld [tilespmem:s22+$0xFFFFFFE0]  }
0x38: {  	s20 =	sadd.s32 s20, s19  }
0x39: {  	s22 =	sadd.s32 $0x40, s22;
	[tilespmem:s20+$0x1830 ss:$0x81] =	vst.msk $0xffff, v3  }
.Ltmp4:
0x3a: {  	(pc) =	sbr.rel @p1 .LBB1_3-.Ltmp4, $4  }
0x3b: {  	_ = 	snop  }
0x3c: {  	[tilespmem:s20+$0x810 ss:$0x81] =	vst.msk $0xffff, v1  }
0x3d: {  	[tilespmem:s20+$0x1020 ss:$0x81] =	vst.msk $0xffff, v0  }
0x3e: {  	s19 =	simm.s32 $0x1;
	p2 =	por $0x0, $0x0;
	[tilespmem:s20+$0x0 ss:$0x81] =	vst.msk $0xffff, v2  }
0x3f: {  	s17 =	sshll.u32 s14, $0x3;
	s18 =	sand.u32 $0x78, s14;
	s15 =	sshll.u32 s15, $0x13  }
.Ltmp5:
0x40: {  	s30 =	sand.u32 $0x7E000, s14;
	s17 =	sand.u32 $0xFC00, s17;
	(pc) =	sbr.rel .LBB1_7-.Ltmp5, $4  }
0x41: {  	s31 =	sand.u32 $0x7, s14;
	s15 =	sadd.s32 s2, s15;
	s17 =	sor.u32 s18, s17  }
0x42: {  	s14 =	sshll.u32 s31, $0x12;
	s15 =	sadd.s32 s30, s15;
	s17 =	sshrl.u32 s17, $0x3  }
0x43: {  	s14 =	sor.u32 $0x400, s14;
	s15 =	sadd.s32 s17, s15  }
0x44: {  	[hbm4b:s15+s14] =	stream.strided.scatter [tilespmem:s16], [sflag:$0x2], $0x4000, s10, s14, $0x20;
	[tilespmem:$0x10100] =	vst v63  }
.LBB1_8:
0x45: {  	_ =	sfence.sel $0x180000  }
0x46: {  	s2 =	simm.s32 $0x1;
	[bflag:$0x0] =	sbarrier.arrive $0xFFFF  }
0x47: {  	s31 =	simm.s32 $0x2;
	[sflag:s2] =	ssyncpa.u1 $0x1  }
0x48: {  	[sflag:s31] =	ssyncpa.u1 $0x1  }
0x49: {  	p0 =	sne.s32 s0, $0x0;
	_ =	strace $0x9000004D  }
0x4a: {  	s0 =	sadd.s32 @!p0 $0x100000, s1;
	[bflag:$0x2] =	sbarrier.arrive $0xFFFF  }
0x4b: {  	[sflag:s0] =	ssyncadd.tile.s32 @!p0 $0x1;
	_ =	shalt  }
.Lfunc_end1:
_tile_overlayer_lowered:
.L_overlay_start_2:
0x4c: {  	(tag) =	ssettag $0x2  }
0x4d: {  	s0 =	rddreg [dreg:$0x0];
	s2 =	stileid.u32  }
0x4e: {  	s1 =	rddreg [dreg:$0x1];
	p0 =	sne.s32 s2, $0x0  }
0x4f: {  	s3 =	rddreg [dreg:$0x2];
	[bflag:$0x3] =	sbarrier.arrive $0xFFFF;
	s2 =	simm.s32 @!p0 $0x1C01  }
0x50: {  	[timem:s3], [sflag:s2] =	dma.local @!p0 [hbm:s0], s1  }
0x51: {  	s0 =	simm.s32 @!p0 $0x1  }
0x52: {  	_ =	swait.ge @!p0 [sflag:s0], s1  }
0x53: {  	s1 =	ssub.s32 @!p0 $0x0, s1;
	[sflag:s0] =	ssyncset.done @!p0 $0x0  }
0x54: {  	[sflag:s0] =	ssyncadd.s32 @!p0 s1  }
0x55: {  	[bflag:$0x3] =	sbarrier.arrive $0xFFFF  }
0x56: {  	_ =	shalt  }

</sc_bundles>
